<compile_context>
chip_gen: v7x
topology: tpu7x:2x2x1
jax: 0.10.2.dev20260603
libtpu: 0.0.44.dev20260713+nightly
codegen_flags: <defaults>
</compile_context>

<pallas_src>
import functools

import jax
import jax.numpy as jnp
from jax.experimental import pallas as pl
from jax.experimental.pallas import tpu as pltpu
from jax.experimental.pallas import tpu_sc as plsc

_R_SC = 768
_SC_BR = 4
_TC_BLK = 256
_LANES = 16


def _quantize_block(lv_ref, x_ref, o_ref):
    l0, l1, l2 = lv_ref[0], lv_ref[1], lv_ref[2]
    t0 = (l0 + l1) * 0.5
    t1 = (l1 + l2) * 0.5
    x = x_ref[...]
    o_ref[...] = jnp.where(x > t1, l2, jnp.where(x > t0, l1, l0))


def _decode_block(lv_ref, c_ref, _alias_ref, o_ref):
    l0, l1, l2 = lv_ref[0], lv_ref[1], lv_ref[2]
    c = c_ref[...]
    q3 = jnp.floor(c * 0.015625)
    r3 = c - 64.0 * q3
    q2 = jnp.floor(r3 * 0.0625)
    r2 = r3 - 16.0 * q2
    q1 = jnp.floor(r2 * 0.25)
    q0 = r2 - 4.0 * q1

    def val(q):
        return jnp.where(q > 1.5, l2, jnp.where(q > 0.5, l1, l0))

    n = c.shape[1]
    o_ref[:, 0:n] = val(q0)
    o_ref[:, n:2 * n] = val(q1)
    o_ref[:, 2 * n:3 * n] = val(q2)
    o_ref[:, 3 * n:4 * n] = val(q3)


def _sc_codes(x2, consts, r_sc, d):
    n = d // 4
    mesh = plsc.VectorSubcoreMesh(core_axis_name="core",
                                  subcore_axis_name="subcore")

    @functools.partial(
        pl.kernel,
        out_type=jax.ShapeDtypeStruct((r_sc, n), jnp.float32),
        mesh=mesh,
        scratch_types=[pltpu.VMEM((2 * _LANES,), jnp.float32)],
    )
    def k(x_hbm, c_hbm, o_hbm, c_v):
        pltpu.sync_copy(c_hbm, c_v)

        def body(in_v, out_v):
            t0v = c_v[pl.ds(0, _LANES)]
            t1v = c_v[pl.ds(_LANES, _LANES)]
            zero = jnp.full((_LANES,), 0.0, jnp.float32)
            w1 = jnp.full((_LANES,), 1.0, jnp.float32)
            w4 = jnp.full((_LANES,), 4.0, jnp.float32)
            w16 = jnp.full((_LANES,), 16.0, jnp.float32)
            w64 = jnp.full((_LANES,), 64.0, jnp.float32)

            @pl.loop(0, _SC_BR)
            def _row(r):
                @pl.loop(0, n, step=_LANES)
                def _col(j):
                    x0 = in_v[r, pl.ds(j, _LANES)]
                    x1 = in_v[r, pl.ds(j + n, _LANES)]
                    x2v = in_v[r, pl.ds(j + 2 * n, _LANES)]
                    x3 = in_v[r, pl.ds(j + 3 * n, _LANES)]
                    code = jnp.where(x0 > t0v, w1, zero)
                    code = code + jnp.where(x0 > t1v, w1, zero)
                    code = code + jnp.where(x1 > t0v, w4, zero)
                    code = code + jnp.where(x1 > t1v, w4, zero)
                    code = code + jnp.where(x2v > t0v, w16, zero)
                    code = code + jnp.where(x2v > t1v, w16, zero)
                    code = code + jnp.where(x3 > t0v, w64, zero)
                    code = code + jnp.where(x3 > t1v, w64, zero)
                    out_v[r, pl.ds(j, _LANES)] = code

        pltpu.emit_pipeline(
            body,
            grid=(r_sc // _SC_BR,),
            in_specs=[pl.BlockSpec((_SC_BR, d), lambda i: (i, 0))],
            out_specs=[pl.BlockSpec((_SC_BR, n), lambda i: (i, 0))],
            core_axis_name=("core", "subcore"),
            dimension_semantics=(pltpu.PARALLEL,),
        )(x_hbm, o_hbm)

    return k(x2, consts)


def kernel(x, levels):
    b, c, d = x.shape
    rows = b * c
    x2 = x.reshape(rows, d)

    t0 = (levels[0] + levels[1]) * 0.5
    t1 = (levels[1] + levels[2]) * 0.5
    consts = jnp.concatenate([
        jnp.broadcast_to(t0, (_LANES,)),
        jnp.broadcast_to(t1, (_LANES,)),
    ]).astype(jnp.float32)

    codes = _sc_codes(x2, consts, _R_SC, d)

    off = _R_SC // _TC_BLK
    a_out = pl.pallas_call(
        _quantize_block,
        grid=((rows - _R_SC) // _TC_BLK,),
        in_specs=[
            pl.BlockSpec(memory_space=pltpu.MemorySpace.SMEM),
            pl.BlockSpec((_TC_BLK, d), lambda i: (i + off, 0)),
        ],
        out_specs=pl.BlockSpec((_TC_BLK, d), lambda i: (i + off, 0)),
        out_shape=jax.ShapeDtypeStruct((rows, d), x.dtype),
    )(levels, x2)

    out = pl.pallas_call(
        _decode_block,
        grid=(_R_SC // _TC_BLK,),
        in_specs=[
            pl.BlockSpec(memory_space=pltpu.MemorySpace.SMEM),
            pl.BlockSpec((_TC_BLK, d // 4), lambda i: (i, 0)),
            pl.BlockSpec(memory_space=pltpu.MemorySpace.HBM),
        ],
        out_specs=pl.BlockSpec((_TC_BLK, d), lambda i: (i, 0)),
        out_shape=jax.ShapeDtypeStruct((rows, d), x.dtype),
        input_output_aliases={2: 0},
    )(levels, codes, a_out)

    return out.reshape(b, c, d)

# --- scband reference (transcript-rebuilt; emitter-appended) ---
"""Pipeline reference for scband-discrete-quantizer-48043504173095 (READ-ONLY COPY).

The authoritative reference and input builder live on the scoring server;
editing this copy changes nothing except your own understanding.
"""

import jax, jax.numpy as jnp
import numpy as np


def setup_inputs(seed: int = 0) -> dict:
    key = jax.random.key(seed)
    x = jax.random.normal(key, (16, 256, 8192), dtype=jnp.float32)
    levels = jnp.array([-1.0, -0.9, 0.8], dtype=jnp.float32)
    return {"x": x, "levels": levels}


def reference(x, levels):
    # Faithful translation of DiscreteQuantizer.forward (hard=True path):
    # assign each element the nearest discrete level via midpoint thresholds.
    n_levels = 3  # static: len(levels) from init_kwargs
    quantized = jnp.zeros_like(x)
    for i in range(n_levels):
        if i == 0:
            mask = x <= (levels[0] + levels[1]) / 2
        elif i == n_levels - 1:
            mask = x > (levels[i - 1] + levels[i]) / 2
        else:
            mask = (x > (levels[i - 1] + levels[i]) / 2) & (x <= (levels[i] + levels[i + 1]) / 2)
        quantized = jnp.where(mask, levels[i], quantized)
    return quantized

if __name__ == "__main__":
    import jax
    _d = setup_inputs()
    print(jax.jit(kernel)(*tuple(_d.values())))

</pallas_src>

<mosaic_0001>
#map = affine_map<(d0, d1) -> (0, 0)>
#map1 = affine_map<(d0, d1) -> (0)>
module attributes {stable_mosaic.version = 14 : i64} {
  func.func @k(%arg0: i32, %arg1: i32, %arg2: memref<4096x8192xf32, #tpu.memory_space<hbm>>, %arg3: memref<32xf32, #tpu.memory_space<hbm>>, %arg4: memref<768x2048xf32, #tpu.memory_space<hbm>>, %arg5: memref<32xf32, #tpu.memory_space<vmem>>) attributes {dimension_semantics = [#tpu.dimension_semantics<core_parallel>, #tpu.dimension_semantics<subcore_parallel>], iteration_bounds = array<i64: 2, 16>, scalar_prefetch = 0 : i64, scratch_operands = 1 : i64, tpu.core_type = #tpu.core_type<sc_vector_subcore>, window_params = [{transform_indices = #map}, {transform_indices = #map1}, {transform_indices = #map}]} {
    "tpu.region"() ({
      %run_scoped3A = tpu.sem_alloc : memref<!tpu.dma_semaphore, #tpu.memory_space<semaphore_mem>>
      tpu.enqueue_dma source(%arg3 : memref<32xf32, #tpu.memory_space<hbm>>) target(%arg5 : memref<32xf32, #tpu.memory_space<vmem>>) target_semaphore(%run_scoped3A : memref<!tpu.dma_semaphore, #tpu.memory_space<semaphore_mem>>)
      tpu.wait_dma2 semaphore(%run_scoped3A : memref<!tpu.dma_semaphore, #tpu.memory_space<semaphore_mem>>) src(%arg3 : memref<32xf32, #tpu.memory_space<hbm>>) dst(%arg5 : memref<32xf32, #tpu.memory_space<vmem>>)
      tpu.yield
    }) : () -> ()
    %mul3A = arith.constant 1 : i32
    %mul3A_0 = arith.muli %arg1, %mul3A : i32
    %add3A = arith.constant 0 : i32
    %add3A_1 = arith.addi %add3A, %mul3A_0 : i32
    %mul3A_2 = arith.constant 16 : i32
    %mul3A_3 = arith.muli %arg0, %mul3A_2 : i32
    %add3A_4 = arith.addi %add3A_1, %mul3A_3 : i32
    %mul3A_5 = arith.constant 6 : i32
    %mul3A_6 = arith.muli %add3A_4, %mul3A_5 : i32
    "tpu.region"() ({
      %run_scoped3A = memref.alloca() : memref<2x4x8192xf32, #tpu.memory_space<vmem>>
      %run_scoped3A_7 = tpu.sem_alloc : memref<2x!tpu.dma_semaphore, #tpu.memory_space<semaphore_mem>>
      %run_scoped3A_8 = memref.alloca() : memref<2x4x2048xf32, #tpu.memory_space<vmem>>
      %run_scoped3A_9 = tpu.sem_alloc : memref<2x!tpu.dma_semaphore, #tpu.memory_space<semaphore_mem>>
      %add3A_10 = arith.constant 0 : i32
      %add3A_11 = arith.addi %add3A_10, %mul3A_6 : i32
      %select_n3A = arith.constant true
      %select_n3A_12 = arith.constant 0 : i32
      %select_n3A_13 = arith.constant -1 : i32
      %select_n3A_14 = arith.select %select_n3A, %select_n3A_13, %select_n3A_12 : i32
      %eq3A = arith.constant -1 : i32
      %eq3A_15 = arith.cmpi eq, %select_n3A_14, %eq3A : i32
      %select_n3A_16 = arith.constant 5 : i32
      %select_n3A_17 = arith.select %eq3A_15, %select_n3A_16, %select_n3A_14 : i32
      %add3A_18 = arith.addi %select_n3A_17, %mul3A_6 : i32
      %select_n3A_19 = arith.constant true
      %select_n3A_20 = arith.constant 0 : i32
      %select_n3A_21 = arith.constant 1 : i32
      %select_n3A_22 = arith.select %select_n3A_19, %select_n3A_21, %select_n3A_20 : i32
      %eq3A_23 = arith.constant 6 : i32
      %eq3A_24 = arith.cmpi eq, %select_n3A_22, %eq3A_23 : i32
      %select_n3A_25 = arith.constant 0 : i32
      %select_n3A_26 = arith.select %eq3A_24, %select_n3A_25, %select_n3A_22 : i32
      %add3A_27 = arith.addi %select_n3A_26, %mul3A_6 : i32
      %add3A_28 = arith.constant 1 : i32
      %add3A_29 = arith.addi %select_n3A_26, %add3A_28 : i32
      %select_n3A_30 = arith.constant true
      %select_n3A_31 = arith.select %select_n3A_30, %add3A_29, %select_n3A_26 : i32
      %eq3A_32 = arith.constant 6 : i32
      %eq3A_33 = arith.cmpi eq, %select_n3A_31, %eq3A_32 : i32
      %select_n3A_34 = arith.constant 0 : i32
      %select_n3A_35 = arith.select %eq3A_33, %select_n3A_34, %select_n3A_31 : i32
      %add3A_36 = arith.addi %select_n3A_35, %mul3A_6 : i32
      "tpu.trace_start"() <{level = 10 : i32, message = "ep_initialize_0"}> : () -> ()
      %rem3A = arith.constant 0 : i32
      %rem3A_37 = arith.constant 2 : i32
      %rem3A_38 = arith.remui %rem3A, %rem3A_37 : i32
      %mul3A_39 = arith.constant 4 : i32
      %mul3A_40 = arith.muli %mul3A_39, %add3A_11 : i32
      %dma_start3A = arith.constant 0 : i32
      %dma_start3A_41 = arith.constant 0 : i32
      %dma_start3A_42 = tpu.memref_slice %run_scoped3A[%rem3A_38, %dma_start3A, %dma_start3A_41] : memref<2x4x8192xf32, #tpu.memory_space<vmem>> -> memref<1x4x8192xf32, #tpu.memory_space<vmem>>
      %dma_start3A_43 = tpu.memref_squeeze %dma_start3A_42 : memref<1x4x8192xf32, #tpu.memory_space<vmem>> -> memref<4x8192xf32, #tpu.memory_space<vmem>>
      %dma_start3A_44 = arith.constant 0 : i32
      %dma_start3A_45 = tpu.memref_slice %arg2[%mul3A_40, %dma_start3A_44] : memref<4096x8192xf32, #tpu.memory_space<hbm>> -> memref<4x8192xf32, #tpu.memory_space<hbm>>
      %dma_start3A_46 = tpu.memref_slice %run_scoped3A_7[%rem3A_38] : memref<2x!tpu.dma_semaphore, #tpu.memory_space<semaphore_mem>> -> memref<1x!tpu.dma_semaphore, #tpu.memory_space<semaphore_mem>>
      %dma_start3A_47 = tpu.memref_squeeze %dma_start3A_46 : memref<1x!tpu.dma_semaphore, #tpu.memory_space<semaphore_mem>> -> memref<!tpu.dma_semaphore, #tpu.memory_space<semaphore_mem>>
      %dma_start3A_48 = arith.constant 0 : i32
      %dma_start3A_49 = arith.constant 0 : i32
      %dma_start3A_50 = tpu.memref_slice %run_scoped3A[%rem3A_38, %dma_start3A_48, %dma_start3A_49] : memref<2x4x8192xf32, #tpu.memory_space<vmem>> -> memref<1x4x8192xf32, #tpu.memory_space<vmem>>
      %dma_start3A_51 = tpu.memref_squeeze %dma_start3A_50 : memref<1x4x8192xf32, #tpu.memory_space<vmem>> -> memref<4x8192xf32, #tpu.memory_space<vmem>>
      %dma_start3A_52 = arith.constant 0 : i32
      %dma_start3A_53 = tpu.memref_slice %arg2[%mul3A_40, %dma_start3A_52] : memref<4096x8192xf32, #tpu.memory_space<hbm>> -> memref<4x8192xf32, #tpu.memory_space<hbm>>
      tpu.enqueue_dma source(%dma_start3A_53 : memref<4x8192xf32, #tpu.memory_space<hbm>>) target(%dma_start3A_51 : memref<4x8192xf32, #tpu.memory_space<vmem>>) target_semaphore(%dma_start3A_47 : memref<!tpu.dma_semaphore, #tpu.memory_space<semaphore_mem>>)
      %add3A_54 = arith.constant 0 : i32
      %add3A_55 = arith.constant 1 : i32
      %add3A_56 = arith.addi %add3A_54, %add3A_55 : i32
      %select_n3A_57 = arith.constant true
      %select_n3A_58 = arith.constant 0 : i32
      %select_n3A_59 = arith.select %select_n3A_57, %add3A_56, %select_n3A_58 : i32
      "tpu.trace_stop"() : () -> ()
      %scan3A = arith.constant 0 : i32
      %scan3A_60 = arith.constant 0 : i32
      %scan3A_61 = arith.constant 0 : i32
      %scan3A_62 = arith.constant 0 : i32
      %scan3A_63 = arith.constant 0 : i32
      %scan3A_64 = arith.constant 6 : i32
      %scan3A_65 = arith.addi %scan3A_63, %scan3A_64 : i32
      %scan3A_66 = arith.constant 1 : i32
      %scan3A_67:5 = scf.for %scan3A_121 = %scan3A_63 to %scan3A_65 step %scan3A_66 iter_args(%scan3A_122 = %select_n3A_59, %scan3A_123 = %scan3A, %scan3A_124 = %scan3A_60, %scan3A_125 = %scan3A_61, %scan3A_126 = %scan3A_62) -> (i32, i32, i32, i32, i32)  : i32 {
        %eq3A_127 = arith.constant 0 : i32
        %eq3A_128 = arith.cmpi eq, %scan3A_121, %eq3A_127 : i32
        %eq3A_129 = arith.constant 5 : i32
        %eq3A_130 = arith.cmpi eq, %scan3A_121, %eq3A_129 : i32
        %add3A_131 = arith.addi %scan3A_126, %mul3A_6 : i32
        %sub3A_132 = arith.constant 1 : i32
        %sub3A_133 = arith.subi %scan3A_126, %sub3A_132 : i32
        %select_n3A_134 = arith.constant true
        %select_n3A_135 = arith.select %select_n3A_134, %sub3A_133, %scan3A_126 : i32
        %eq3A_136 = arith.constant -1 : i32
        %eq3A_137 = arith.cmpi eq, %select_n3A_135, %eq3A_136 : i32
        %select_n3A_138 = arith.constant 5 : i32
        %select_n3A_139 = arith.select %eq3A_137, %select_n3A_138, %select_n3A_135 : i32
        %add3A_140 = arith.addi %select_n3A_139, %mul3A_6 : i32
        %add3A_141 = arith.constant 1 : i32
        %add3A_142 = arith.addi %scan3A_126, %add3A_141 : i32
        %select_n3A_143 = arith.constant true
        %select_n3A_144 = arith.select %select_n3A_143, %add3A_142, %scan3A_126 : i32
        %eq3A_145 = arith.constant 6 : i32
        %eq3A_146 = arith.cmpi eq, %select_n3A_144, %eq3A_145 : i32
        %select_n3A_147 = arith.constant 0 : i32
        %select_n3A_148 = arith.select %eq3A_146, %select_n3A_147, %select_n3A_144 : i32
        %add3A_149 = arith.addi %select_n3A_148, %mul3A_6 : i32
        %add3A_150 = arith.constant 1 : i32
        %add3A_151 = arith.addi %select_n3A_148, %add3A_150 : i32
        %select_n3A_152 = arith.constant true
        %select_n3A_153 = arith.select %select_n3A_152, %add3A_151, %select_n3A_148 : i32
        %eq3A_154 = arith.constant 6 : i32
        %eq3A_155 = arith.cmpi eq, %select_n3A_153, %eq3A_154 : i32
        %select_n3A_156 = arith.constant 0 : i32
        %select_n3A_157 = arith.select %eq3A_155, %select_n3A_156, %select_n3A_153 : i32
        %add3A_158 = arith.addi %select_n3A_157, %mul3A_6 : i32
        %ne3A = arith.cmpi ne, %add3A_131, %add3A_149 : i32
        %or3A = arith.constant false
        %or3A_159 = arith.ori %or3A, %ne3A : i1
        %or3A_160 = arith.constant false
        %or3A_161 = arith.ori %or3A_159, %or3A_160 : i1
        %ge3A = arith.constant 5 : i32
        %ge3A_162 = arith.cmpi sge, %scan3A_121, %ge3A : i32
        %not3A = arith.constant true
        %not3A_163 = arith.xori %ge3A_162, %not3A : i1
        %and3A = arith.andi %or3A_161, %not3A_163 : i1
        %convert_element_type3A = arith.extui %and3A : i1 to i32
        %cond3A = arith.constant 0 : i32
        %cond3A_164 = arith.cmpi ne, %convert_element_type3A, %cond3A : i32
        scf.if %cond3A_164 {
          "tpu.trace_start"() <{level = 10 : i32, message = "ep_copy_in"}> : () -> ()
          %rem3A_292 = arith.constant 2 : i32
          %rem3A_293 = arith.remui %scan3A_122, %rem3A_292 : i32
          %mul3A_294 = arith.constant 4 : i32
          %mul3A_295 = arith.muli %mul3A_294, %add3A_149 : i32
          %dma_start3A_296 = arith.constant 0 : i32
          %dma_start3A_297 = arith.constant 0 : i32
          %dma_start3A_298 = tpu.memref_slice %run_scoped3A[%rem3A_293, %dma_start3A_296, %dma_start3A_297] : memref<2x4x8192xf32, #tpu.memory_space<vmem>> -> memref<1x4x8192xf32, #tpu.memory_space<vmem>>
          %dma_start3A_299 = tpu.memref_squeeze %dma_start3A_298 : memref<1x4x8192xf32, #tpu.memory_space<vmem>> -> memref<4x8192xf32, #tpu.memory_space<vmem>>
          %dma_start3A_300 = arith.constant 0 : i32
          %dma_start3A_301 = tpu.memref_slice %arg2[%mul3A_295, %dma_start3A_300] : memref<4096x8192xf32, #tpu.memory_space<hbm>> -> memref<4x8192xf32, #tpu.memory_space<hbm>>
          %dma_start3A_302 = tpu.memref_slice %run_scoped3A_7[%rem3A_293] : memref<2x!tpu.dma_semaphore, #tpu.memory_space<semaphore_mem>> -> memref<1x!tpu.dma_semaphore, #tpu.memory_space<semaphore_mem>>
          %dma_start3A_303 = tpu.memref_squeeze %dma_start3A_302 : memref<1x!tpu.dma_semaphore, #tpu.memory_space<semaphore_mem>> -> memref<!tpu.dma_semaphore, #tpu.memory_space<semaphore_mem>>
          %dma_start3A_304 = arith.constant 0 : i32
          %dma_start3A_305 = arith.constant 0 : i32
          %dma_start3A_306 = tpu.memref_slice %run_scoped3A[%rem3A_293, %dma_start3A_304, %dma_start3A_305] : memref<2x4x8192xf32, #tpu.memory_space<vmem>> -> memref<1x4x8192xf32, #tpu.memory_space<vmem>>
          %dma_start3A_307 = tpu.memref_squeeze %dma_start3A_306 : memref<1x4x8192xf32, #tpu.memory_space<vmem>> -> memref<4x8192xf32, #tpu.memory_space<vmem>>
          %dma_start3A_308 = arith.constant 0 : i32
          %dma_start3A_309 = tpu.memref_slice %arg2[%mul3A_295, %dma_start3A_308] : memref<4096x8192xf32, #tpu.memory_space<hbm>> -> memref<4x8192xf32, #tpu.memory_space<hbm>>
          tpu.enqueue_dma source(%dma_start3A_309 : memref<4x8192xf32, #tpu.memory_space<hbm>>) target(%dma_start3A_307 : memref<4x8192xf32, #tpu.memory_space<vmem>>) target_semaphore(%dma_start3A_303 : memref<!tpu.dma_semaphore, #tpu.memory_space<semaphore_mem>>)
          "tpu.trace_stop"() : () -> ()
        } else {
        }
        %and3A_165 = arith.constant true
        %and3A_166 = arith.andi %and3A, %and3A_165 : i1
        %add3A_167 = arith.constant 1 : i32
        %add3A_168 = arith.addi %scan3A_122, %add3A_167 : i32
        %select_n3A_169 = arith.select %and3A_166, %add3A_168, %scan3A_122 : i32
        %ne3A_170 = arith.cmpi ne, %add3A_131, %add3A_149 : i32
        %or3A_171 = arith.constant false
        %or3A_172 = arith.ori %or3A_171, %ne3A_170 : i1
        %or3A_173 = arith.constant false
        %or3A_174 = arith.ori %or3A_172, %or3A_173 : i1
        %ge3A_175 = arith.constant 5 : i32
        %ge3A_176 = arith.cmpi sge, %scan3A_121, %ge3A_175 : i32
        %not3A_177 = arith.constant true
        %not3A_178 = arith.xori %ge3A_176, %not3A_177 : i1
        %and3A_179 = arith.andi %or3A_174, %not3A_178 : i1
        %ne3A_180 = arith.cmpi ne, %add3A_131, %add3A_140 : i32
        %or3A_181 = arith.constant false
        %or3A_182 = arith.ori %or3A_181, %ne3A_180 : i1
        %or3A_183 = arith.constant false
        %or3A_184 = arith.ori %or3A_182, %or3A_183 : i1
        %or3A_185 = arith.ori %or3A_184, %eq3A_128 : i1
        %convert_element_type3A_186 = arith.extui %or3A_185 : i1 to i32
        %cond3A_187 = arith.constant 0 : i32
        %cond3A_188 = arith.cmpi ne, %convert_element_type3A_186, %cond3A_187 : i32
        scf.if %cond3A_188 {
          "tpu.trace_start"() <{level = 10 : i32, message = "ep_wait_in"}> : () -> ()
          %mul3A_292 = arith.constant 4 : i32
          %mul3A_293 = arith.muli %mul3A_292, %add3A_131 : i32
          %rem3A_294 = arith.constant 2 : i32
          %rem3A_295 = arith.remui %scan3A_123, %rem3A_294 : i32
          %dma_wait3A_296 = arith.constant 0 : i32
          %dma_wait3A_297 = arith.constant 0 : i32
          %dma_wait3A_298 = tpu.memref_slice %run_scoped3A[%rem3A_295, %dma_wait3A_296, %dma_wait3A_297] : memref<2x4x8192xf32, #tpu.memory_space<vmem>> -> memref<1x4x8192xf32, #tpu.memory_space<vmem>>
          %dma_wait3A_299 = tpu.memref_squeeze %dma_wait3A_298 : memref<1x4x8192xf32, #tpu.memory_space<vmem>> -> memref<4x8192xf32, #tpu.memory_space<vmem>>
          %dma_wait3A_300 = arith.constant 0 : i32
          %dma_wait3A_301 = tpu.memref_slice %arg2[%mul3A_293, %dma_wait3A_300] : memref<4096x8192xf32, #tpu.memory_space<hbm>> -> memref<4x8192xf32, #tpu.memory_space<hbm>>
          %dma_wait3A_302 = tpu.memref_slice %run_scoped3A_7[%rem3A_295] : memref<2x!tpu.dma_semaphore, #tpu.memory_space<semaphore_mem>> -> memref<1x!tpu.dma_semaphore, #tpu.memory_space<semaphore_mem>>
          %dma_wait3A_303 = tpu.memref_squeeze %dma_wait3A_302 : memref<1x!tpu.dma_semaphore, #tpu.memory_space<semaphore_mem>> -> memref<!tpu.dma_semaphore, #tpu.memory_space<semaphore_mem>>
          %dma_wait3A_304 = arith.constant 0 : i32
          %dma_wait3A_305 = arith.constant 0 : i32
          %dma_wait3A_306 = tpu.memref_slice %run_scoped3A[%rem3A_295, %dma_wait3A_304, %dma_wait3A_305] : memref<2x4x8192xf32, #tpu.memory_space<vmem>> -> memref<1x4x8192xf32, #tpu.memory_space<vmem>>
          %dma_wait3A_307 = tpu.memref_squeeze %dma_wait3A_306 : memref<1x4x8192xf32, #tpu.memory_space<vmem>> -> memref<4x8192xf32, #tpu.memory_space<vmem>>
          %dma_wait3A_308 = arith.constant 0 : i32
          %dma_wait3A_309 = tpu.memref_slice %arg2[%mul3A_293, %dma_wait3A_308] : memref<4096x8192xf32, #tpu.memory_space<hbm>> -> memref<4x8192xf32, #tpu.memory_space<hbm>>
          tpu.wait_dma2 semaphore(%dma_wait3A_303 : memref<!tpu.dma_semaphore, #tpu.memory_space<semaphore_mem>>) src(%dma_wait3A_309 : memref<4x8192xf32, #tpu.memory_space<hbm>>) dst(%dma_wait3A_307 : memref<4x8192xf32, #tpu.memory_space<vmem>>)
          "tpu.trace_stop"() : () -> ()
        } else {
        }
        %ne3A_189 = arith.cmpi ne, %add3A_131, %add3A_140 : i32
        %or3A_190 = arith.constant false
        %or3A_191 = arith.ori %or3A_190, %ne3A_189 : i1
        %or3A_192 = arith.constant false
        %or3A_193 = arith.ori %or3A_191, %or3A_192 : i1
        %or3A_194 = arith.ori %or3A_193, %eq3A_128 : i1
        %convert_element_type3A_195 = arith.extui %or3A_194 : i1 to i32
        %cond3A_196 = arith.constant 0 : i32
        %cond3A_197 = arith.cmpi ne, %convert_element_type3A_195, %cond3A_196 : i32
        scf.if %cond3A_197 {
        } else {
        }
        %rem3A_198 = arith.constant 2 : i32
        %rem3A_199 = arith.remui %scan3A_123, %rem3A_198 : i32
        %rem3A_200 = arith.constant 2 : i32
        %rem3A_201 = arith.remui %scan3A_124, %rem3A_200 : i32
        "tpu.trace_start"() <{level = 10 : i32, message = "ep_run_kernel"}> : () -> ()
        %get3A = arith.constant 0 : index
        %get3A_202 = tpu.vector_load %arg5[%get3A] {strides = array<i32>} : memref<32xf32, #tpu.memory_space<vmem>>, vector<16xf32>,
        %get3A_203 = vector.shape_cast %get3A_202 : vector<16xf32> to vector<16xf32>
        %get3A_204 = arith.constant 16 : index
        %get3A_205 = tpu.vector_load %arg5[%get3A_204] {strides = array<i32>} : memref<32xf32, #tpu.memory_space<vmem>>, vector<16xf32>,
        %get3A_206 = vector.shape_cast %get3A_205 : vector<16xf32> to vector<16xf32>
        %broadcast_in_dim3A = arith.constant 0.000000e+00 : f32
        %broadcast_in_dim3A_207 = vector.broadcast %broadcast_in_dim3A : f32 to vector<16xf32>
        %broadcast_in_dim3A_208 = arith.constant 1.000000e+00 : f32
        %broadcast_in_dim3A_209 = vector.broadcast %broadcast_in_dim3A_208 : f32 to vector<16xf32>
        %broadcast_in_dim3A_210 = arith.constant 4.000000e+00 : f32
        %broadcast_in_dim3A_211 = vector.broadcast %broadcast_in_dim3A_210 : f32 to vector<16xf32>
        %broadcast_in_dim3A_212 = arith.constant 1.600000e+01 : f32
        %broadcast_in_dim3A_213 = vector.broadcast %broadcast_in_dim3A_212 : f32 to vector<16xf32>
        %broadcast_in_dim3A_214 = arith.constant 6.400000e+01 : f32
        %broadcast_in_dim3A_215 = vector.broadcast %broadcast_in_dim3A_214 : f32 to vector<16xf32>
        %scan3A_216 = arith.constant 0 : i32
        %scan3A_217 = arith.constant 4 : i32
        %scan3A_218 = arith.addi %scan3A_216, %scan3A_217 : i32
        %scan3A_219 = arith.constant 1 : i32
        scf.for %scan3A_292 = %scan3A_216 to %scan3A_218 step %scan3A_219  : i32 {
          %mul3A_293 = arith.constant 1 : i32
          %mul3A_294 = arith.muli %scan3A_292, %mul3A_293 : i32
          %add3A_295 = arith.constant 0 : i32
          %add3A_296 = arith.addi %add3A_295, %mul3A_294 : i32
          %scan3A_297 = arith.constant 0 : i32
          %scan3A_298 = arith.constant 128 : i32
          %scan3A_299 = arith.addi %scan3A_297, %scan3A_298 : i32
          %scan3A_300 = arith.constant 1 : i32
          scf.for %scan3A_302 = %scan3A_297 to %scan3A_299 step %scan3A_300  : i32 {
            %mul3A_303 = arith.constant 16 : i32
            %mul3A_304 = arith.muli %scan3A_302, %mul3A_303 : i32
            %add3A_305 = arith.constant 0 : i32
            %add3A_306 = arith.addi %add3A_305, %mul3A_304 : i32
            %get3A_307 = arith.constant 0 : i32
            %get3A_308 = arith.constant 0 : i32
            %get3A_309 = tpu.memref_slice %run_scoped3A[%rem3A_199, %get3A_307, %get3A_308] : memref<2x4x8192xf32, #tpu.memory_space<vmem>> -> memref<1x4x8192xf32, #tpu.memory_space<vmem>>
            %get3A_310 = tpu.memref_squeeze %get3A_309 : memref<1x4x8192xf32, #tpu.memory_space<vmem>> -> memref<4x8192xf32, #tpu.memory_space<vmem>>
            %get3A_311 = arith.index_cast %add3A_296 : i32 to index
            %get3A_312 = arith.index_cast %add3A_306 : i32 to index
            %get3A_313 = tpu.vector_load %get3A_310[%get3A_311, %get3A_312] {strides = array<i32>} : memref<4x8192xf32, #tpu.memory_space<vmem>>, vector<1x16xf32>,
            %get3A_314 = vector.shape_cast %get3A_313 : vector<1x16xf32> to vector<16xf32>
            %add3A_315 = arith.constant 2048 : i32
            %add3A_316 = arith.addi %add3A_306, %add3A_315 : i32
            %get3A_317 = arith.constant 0 : i32
            %get3A_318 = arith.constant 0 : i32
            %get3A_319 = tpu.memref_slice %run_scoped3A[%rem3A_199, %get3A_317, %get3A_318] : memref<2x4x8192xf32, #tpu.memory_space<vmem>> -> memref<1x4x8192xf32, #tpu.memory_space<vmem>>
            %get3A_320 = tpu.memref_squeeze %get3A_319 : memref<1x4x8192xf32, #tpu.memory_space<vmem>> -> memref<4x8192xf32, #tpu.memory_space<vmem>>
            %get3A_321 = arith.index_cast %add3A_296 : i32 to index
            %get3A_322 = arith.index_cast %add3A_316 : i32 to index
            %get3A_323 = tpu.vector_load %get3A_320[%get3A_321, %get3A_322] {strides = array<i32>} : memref<4x8192xf32, #tpu.memory_space<vmem>>, vector<1x16xf32>,
            %get3A_324 = vector.shape_cast %get3A_323 : vector<1x16xf32> to vector<16xf32>
            %add3A_325 = arith.constant 4096 : i32
            %add3A_326 = arith.addi %add3A_306, %add3A_325 : i32
            %get3A_327 = arith.constant 0 : i32
            %get3A_328 = arith.constant 0 : i32
            %get3A_329 = tpu.memref_slice %run_scoped3A[%rem3A_199, %get3A_327, %get3A_328] : memref<2x4x8192xf32, #tpu.memory_space<vmem>> -> memref<1x4x8192xf32, #tpu.memory_space<vmem>>
            %get3A_330 = tpu.memref_squeeze %get3A_329 : memref<1x4x8192xf32, #tpu.memory_space<vmem>> -> memref<4x8192xf32, #tpu.memory_space<vmem>>
            %get3A_331 = arith.index_cast %add3A_296 : i32 to index
            %get3A_332 = arith.index_cast %add3A_326 : i32 to index
            %get3A_333 = tpu.vector_load %get3A_330[%get3A_331, %get3A_332] {strides = array<i32>} : memref<4x8192xf32, #tpu.memory_space<vmem>>, vector<1x16xf32>,
            %get3A_334 = vector.shape_cast %get3A_333 : vector<1x16xf32> to vector<16xf32>
            %add3A_335 = arith.constant 6144 : i32
            %add3A_336 = arith.addi %add3A_306, %add3A_335 : i32
            %get3A_337 = arith.constant 0 : i32
            %get3A_338 = arith.constant 0 : i32
            %get3A_339 = tpu.memref_slice %run_scoped3A[%rem3A_199, %get3A_337, %get3A_338] : memref<2x4x8192xf32, #tpu.memory_space<vmem>> -> memref<1x4x8192xf32, #tpu.memory_space<vmem>>
            %get3A_340 = tpu.memref_squeeze %get3A_339 : memref<1x4x8192xf32, #tpu.memory_space<vmem>> -> memref<4x8192xf32, #tpu.memory_space<vmem>>
            %get3A_341 = arith.index_cast %add3A_296 : i32 to index
            %get3A_342 = arith.index_cast %add3A_336 : i32 to index
            %get3A_343 = tpu.vector_load %get3A_340[%get3A_341, %get3A_342] {strides = array<i32>} : memref<4x8192xf32, #tpu.memory_space<vmem>>, vector<1x16xf32>,
            %get3A_344 = vector.shape_cast %get3A_343 : vector<1x16xf32> to vector<16xf32>
            %gt3A = arith.cmpf ogt, %get3A_314, %get3A_203 : vector<16xf32>
            %select_n3A_345 = arith.select %gt3A, %broadcast_in_dim3A_209, %broadcast_in_dim3A_207 : vector<16xi1>, vector<16xf32>
            %gt3A_346 = arith.cmpf ogt, %get3A_314, %get3A_206 : vector<16xf32>
            %select_n3A_347 = arith.select %gt3A_346, %broadcast_in_dim3A_209, %broadcast_in_dim3A_207 : vector<16xi1>, vector<16xf32>
            %add3A_348 = arith.addf %select_n3A_345, %select_n3A_347 : vector<16xf32>
            %gt3A_349 = arith.cmpf ogt, %get3A_324, %get3A_203 : vector<16xf32>
            %select_n3A_350 = arith.select %gt3A_349, %broadcast_in_dim3A_211, %broadcast_in_dim3A_207 : vector<16xi1>, vector<16xf32>
            %add3A_351 = arith.addf %add3A_348, %select_n3A_350 : vector<16xf32>
            %gt3A_352 = arith.cmpf ogt, %get3A_324, %get3A_206 : vector<16xf32>
            %select_n3A_353 = arith.select %gt3A_352, %broadcast_in_dim3A_211, %broadcast_in_dim3A_207 : vector<16xi1>, vector<16xf32>
            %add3A_354 = arith.addf %add3A_351, %select_n3A_353 : vector<16xf32>
            %gt3A_355 = arith.cmpf ogt, %get3A_334, %get3A_203 : vector<16xf32>
            %select_n3A_356 = arith.select %gt3A_355, %broadcast_in_dim3A_213, %broadcast_in_dim3A_207 : vector<16xi1>, vector<16xf32>
            %add3A_357 = arith.addf %add3A_354, %select_n3A_356 : vector<16xf32>
            %gt3A_358 = arith.cmpf ogt, %get3A_334, %get3A_206 : vector<16xf32>
            %select_n3A_359 = arith.select %gt3A_358, %broadcast_in_dim3A_213, %broadcast_in_dim3A_207 : vector<16xi1>, vector<16xf32>
            %add3A_360 = arith.addf %add3A_357, %select_n3A_359 : vector<16xf32>
            %gt3A_361 = arith.cmpf ogt, %get3A_344, %get3A_203 : vector<16xf32>
            %select_n3A_362 = arith.select %gt3A_361, %broadcast_in_dim3A_215, %broadcast_in_dim3A_207 : vector<16xi1>, vector<16xf32>
            %add3A_363 = arith.addf %add3A_360, %select_n3A_362 : vector<16xf32>
            %gt3A_364 = arith.cmpf ogt, %get3A_344, %get3A_206 : vector<16xf32>
            %select_n3A_365 = arith.select %gt3A_364, %broadcast_in_dim3A_215, %broadcast_in_dim3A_207 : vector<16xi1>, vector<16xf32>
            %add3A_366 = arith.addf %add3A_363, %select_n3A_365 : vector<16xf32>
            %swap3A = arith.constant 0 : i32
            %swap3A_367 = arith.constant 0 : i32
            %swap3A_368 = tpu.memref_slice %run_scoped3A_8[%rem3A_201, %swap3A, %swap3A_367] : memref<2x4x2048xf32, #tpu.memory_space<vmem>> -> memref<1x4x2048xf32, #tpu.memory_space<vmem>>
            %swap3A_369 = tpu.memref_squeeze %swap3A_368 : memref<1x4x2048xf32, #tpu.memory_space<vmem>> -> memref<4x2048xf32, #tpu.memory_space<vmem>>
            %swap3A_370 = arith.index_cast %add3A_296 : i32 to index
            %swap3A_371 = arith.index_cast %add3A_306 : i32 to index
            %swap3A_372 = tpu.vector_load %swap3A_369[%swap3A_370, %swap3A_371] {strides = array<i32>} : memref<4x2048xf32, #tpu.memory_space<vmem>>, vector<1x16xf32>,
            %swap3A_373 = vector.shape_cast %swap3A_372 : vector<1x16xf32> to vector<16xf32>
            %swap3A_374 = vector.shape_cast %add3A_366 : vector<16xf32> to vector<1x16xf32>
            tpu.vector_store %swap3A_369[%swap3A_370, %swap3A_371], %swap3A_374 {strides = array<i32>} : memref<4x2048xf32, #tpu.memory_space<vmem>>, vector<1x16xf32>,
          }
          %scan3A_301 = arith.constant 128 : i32
        }
        %scan3A_220 = arith.constant 4 : i32
        "tpu.trace_stop"() : () -> ()
        %ne3A_221 = arith.cmpi ne, %add3A_131, %add3A_149 : i32
        %or3A_222 = arith.constant false
        %or3A_223 = arith.ori %or3A_222, %ne3A_221 : i1
        %or3A_224 = arith.constant false
        %or3A_225 = arith.ori %or3A_223, %or3A_224 : i1
        %or3A_226 = arith.ori %or3A_225, %eq3A_130 : i1
        %convert_element_type3A_227 = arith.extui %or3A_226 : i1 to i32
        %cond3A_228 = arith.constant 0 : i32
        %cond3A_229 = arith.cmpi ne, %convert_element_type3A_227, %cond3A_228 : i32
        scf.if %cond3A_229 {
        } else {
        }
        %and3A_230 = arith.constant false
        %and3A_231 = arith.andi %or3A_226, %and3A_230 : i1
        %ne3A_232 = arith.cmpi ne, %add3A_131, %add3A_149 : i32
        %or3A_233 = arith.constant false
        %or3A_234 = arith.ori %or3A_233, %ne3A_232 : i1
        %or3A_235 = arith.constant false
        %or3A_236 = arith.ori %or3A_234, %or3A_235 : i1
        %or3A_237 = arith.ori %or3A_236, %eq3A_130 : i1
        %convert_element_type3A_238 = arith.extui %or3A_237 : i1 to i32
        %cond3A_239 = arith.constant 0 : i32
        %cond3A_240 = arith.cmpi ne, %convert_element_type3A_238, %cond3A_239 : i32
        scf.if %cond3A_240 {
          "tpu.trace_start"() <{level = 10 : i32, message = "ep_copy_out"}> : () -> ()
          %rem3A_292 = arith.constant 2 : i32
          %rem3A_293 = arith.remui %scan3A_124, %rem3A_292 : i32
          %mul3A_294 = arith.constant 4 : i32
          %mul3A_295 = arith.muli %mul3A_294, %add3A_131 : i32
          %dma_start3A_296 = arith.constant 0 : i32
          %dma_start3A_297 = arith.constant 0 : i32
          %dma_start3A_298 = tpu.memref_slice %run_scoped3A_8[%rem3A_293, %dma_start3A_296, %dma_start3A_297] : memref<2x4x2048xf32, #tpu.memory_space<vmem>> -> memref<1x4x2048xf32, #tpu.memory_space<vmem>>
          %dma_start3A_299 = tpu.memref_squeeze %dma_start3A_298 : memref<1x4x2048xf32, #tpu.memory_space<vmem>> -> memref<4x2048xf32, #tpu.memory_space<vmem>>
          %dma_start3A_300 = arith.constant 0 : i32
          %dma_start3A_301 = tpu.memref_slice %arg4[%mul3A_295, %dma_start3A_300] : memref<768x2048xf32, #tpu.memory_space<hbm>> -> memref<4x2048xf32, #tpu.memory_space<hbm>>
          %dma_start3A_302 = tpu.memref_slice %run_scoped3A_9[%rem3A_293] : memref<2x!tpu.dma_semaphore, #tpu.memory_space<semaphore_mem>> -> memref<1x!tpu.dma_semaphore, #tpu.memory_space<semaphore_mem>>
          %dma_start3A_303 = tpu.memref_squeeze %dma_start3A_302 : memref<1x!tpu.dma_semaphore, #tpu.memory_space<semaphore_mem>> -> memref<!tpu.dma_semaphore, #tpu.memory_space<semaphore_mem>>
          %dma_start3A_304 = arith.constant 0 : i32
          %dma_start3A_305 = tpu.memref_slice %arg4[%mul3A_295, %dma_start3A_304] : memref<768x2048xf32, #tpu.memory_space<hbm>> -> memref<4x2048xf32, #tpu.memory_space<hbm>>
          %dma_start3A_306 = arith.constant 0 : i32
          %dma_start3A_307 = arith.constant 0 : i32
          %dma_start3A_308 = tpu.memref_slice %run_scoped3A_8[%rem3A_293, %dma_start3A_306, %dma_start3A_307] : memref<2x4x2048xf32, #tpu.memory_space<vmem>> -> memref<1x4x2048xf32, #tpu.memory_space<vmem>>
          %dma_start3A_309 = tpu.memref_squeeze %dma_start3A_308 : memref<1x4x2048xf32, #tpu.memory_space<vmem>> -> memref<4x2048xf32, #tpu.memory_space<vmem>>
          tpu.enqueue_dma source(%dma_start3A_309 : memref<4x2048xf32, #tpu.memory_space<vmem>>) target(%dma_start3A_305 : memref<4x2048xf32, #tpu.memory_space<hbm>>) target_semaphore(%dma_start3A_303 : memref<!tpu.dma_semaphore, #tpu.memory_space<semaphore_mem>>)
          "tpu.trace_stop"() : () -> ()
        } else {
        }
        %and3A_241 = arith.constant true
        %and3A_242 = arith.andi %or3A_237, %and3A_241 : i1
        %add3A_243 = arith.constant 1 : i32
        %add3A_244 = arith.addi %scan3A_124, %add3A_243 : i32
        %select_n3A_245 = arith.select %and3A_242, %add3A_244, %scan3A_124 : i32
        %ne3A_246 = arith.cmpi ne, %add3A_131, %add3A_140 : i32
        %or3A_247 = arith.constant false
        %or3A_248 = arith.ori %or3A_247, %ne3A_246 : i1
        %or3A_249 = arith.constant false
        %or3A_250 = arith.ori %or3A_248, %or3A_249 : i1
        %not3A_251 = arith.constant true
        %not3A_252 = arith.xori %eq3A_128, %not3A_251 : i1
        %and3A_253 = arith.andi %or3A_250, %not3A_252 : i1
        %convert_element_type3A_254 = arith.extui %and3A_253 : i1 to i32
        %cond3A_255 = arith.constant 0 : i32
        %cond3A_256 = arith.cmpi ne, %convert_element_type3A_254, %cond3A_255 : i32
        scf.if %cond3A_256 {
        } else {
        }
        %and3A_257 = arith.constant false
        %and3A_258 = arith.andi %and3A_253, %and3A_257 : i1
        %ne3A_259 = arith.cmpi ne, %add3A_131, %add3A_140 : i32
        %or3A_260 = arith.constant false
        %or3A_261 = arith.ori %or3A_260, %ne3A_259 : i1
        %or3A_262 = arith.constant false
        %or3A_263 = arith.ori %or3A_261, %or3A_262 : i1
        %not3A_264 = arith.constant true
        %not3A_265 = arith.xori %eq3A_128, %not3A_264 : i1
        %and3A_266 = arith.andi %or3A_263, %not3A_265 : i1
        %convert_element_type3A_267 = arith.extui %and3A_266 : i1 to i32
        %cond3A_268 = arith.constant 0 : i32
        %cond3A_269 = arith.cmpi ne, %convert_element_type3A_267, %cond3A_268 : i32
        scf.if %cond3A_269 {
          "tpu.trace_start"() <{level = 10 : i32, message = "ep_wait_out"}> : () -> ()
          %rem3A_292 = arith.constant 2 : i32
          %rem3A_293 = arith.remui %scan3A_125, %rem3A_292 : i32
          %mul3A_294 = arith.constant 4 : i32
          %mul3A_295 = arith.muli %mul3A_294, %add3A_140 : i32
          %dma_wait3A_296 = arith.constant 0 : i32
          %dma_wait3A_297 = arith.constant 0 : i32
          %dma_wait3A_298 = tpu.memref_slice %run_scoped3A_8[%rem3A_293, %dma_wait3A_296, %dma_wait3A_297] : memref<2x4x2048xf32, #tpu.memory_space<vmem>> -> memref<1x4x2048xf32, #tpu.memory_space<vmem>>
          %dma_wait3A_299 = tpu.memref_squeeze %dma_wait3A_298 : memref<1x4x2048xf32, #tpu.memory_space<vmem>> -> memref<4x2048xf32, #tpu.memory_space<vmem>>
          %dma_wait3A_300 = arith.constant 0 : i32
          %dma_wait3A_301 = tpu.memref_slice %arg4[%mul3A_295, %dma_wait3A_300] : memref<768x2048xf32, #tpu.memory_space<hbm>> -> memref<4x2048xf32, #tpu.memory_space<hbm>>
          %dma_wait3A_302 = tpu.memref_slice %run_scoped3A_9[%rem3A_293] : memref<2x!tpu.dma_semaphore, #tpu.memory_space<semaphore_mem>> -> memref<1x!tpu.dma_semaphore, #tpu.memory_space<semaphore_mem>>
          %dma_wait3A_303 = tpu.memref_squeeze %dma_wait3A_302 : memref<1x!tpu.dma_semaphore, #tpu.memory_space<semaphore_mem>> -> memref<!tpu.dma_semaphore, #tpu.memory_space<semaphore_mem>>
          %dma_wait3A_304 = arith.constant 0 : i32
          %dma_wait3A_305 = tpu.memref_slice %arg4[%mul3A_295, %dma_wait3A_304] : memref<768x2048xf32, #tpu.memory_space<hbm>> -> memref<4x2048xf32, #tpu.memory_space<hbm>>
          %dma_wait3A_306 = arith.constant 0 : i32
          %dma_wait3A_307 = arith.constant 0 : i32
          %dma_wait3A_308 = tpu.memref_slice %run_scoped3A_8[%rem3A_293, %dma_wait3A_306, %dma_wait3A_307] : memref<2x4x2048xf32, #tpu.memory_space<vmem>> -> memref<1x4x2048xf32, #tpu.memory_space<vmem>>
          %dma_wait3A_309 = tpu.memref_squeeze %dma_wait3A_308 : memref<1x4x2048xf32, #tpu.memory_space<vmem>> -> memref<4x2048xf32, #tpu.memory_space<vmem>>
          tpu.wait_dma2 semaphore(%dma_wait3A_303 : memref<!tpu.dma_semaphore, #tpu.memory_space<semaphore_mem>>) src(%dma_wait3A_309 : memref<4x2048xf32, #tpu.memory_space<vmem>>) dst(%dma_wait3A_305 : memref<4x2048xf32, #tpu.memory_space<hbm>>)
          "tpu.trace_stop"() : () -> ()
        } else {
        }
        %and3A_270 = arith.constant true
        %and3A_271 = arith.andi %and3A_266, %and3A_270 : i1
        %add3A_272 = arith.constant 1 : i32
        %add3A_273 = arith.addi %scan3A_125, %add3A_272 : i32
        %select_n3A_274 = arith.select %and3A_271, %add3A_273, %scan3A_125 : i32
        %ne3A_275 = arith.cmpi ne, %add3A_131, %add3A_149 : i32
        %or3A_276 = arith.constant false
        %or3A_277 = arith.ori %or3A_276, %ne3A_275 : i1
        %or3A_278 = arith.constant false
        %or3A_279 = arith.ori %or3A_277, %or3A_278 : i1
        %or3A_280 = arith.ori %or3A_279, %eq3A_130 : i1
        %add3A_281 = arith.constant 1 : i32
        %add3A_282 = arith.addi %scan3A_123, %add3A_281 : i32
        %select_n3A_283 = arith.select %or3A_280, %add3A_282, %scan3A_123 : i32
        %add3A_284 = arith.constant 1 : i32
        %add3A_285 = arith.addi %scan3A_126, %add3A_284 : i32
        %select_n3A_286 = arith.constant true
        %select_n3A_287 = arith.select %select_n3A_286, %add3A_285, %scan3A_126 : i32
        %eq3A_288 = arith.constant 6 : i32
        %eq3A_289 = arith.cmpi eq, %select_n3A_287, %eq3A_288 : i32
        %select_n3A_290 = arith.constant 0 : i32
        %select_n3A_291 = arith.select %eq3A_289, %select_n3A_290, %select_n3A_287 : i32
        scf.yield %select_n3A_169, %select_n3A_283, %select_n3A_245, %select_n3A_274, %select_n3A_291 : i32, i32, i32, i32, i32
      }
      %scan3A_68 = arith.constant 6 : i32
      %sub3A = arith.constant 1 : i32
      %sub3A_69 = arith.subi %scan3A_67#4, %sub3A : i32
      %select_n3A_70 = arith.constant true
      %select_n3A_71 = arith.select %select_n3A_70, %sub3A_69, %scan3A_67#4 : i32
      %eq3A_72 = arith.constant -1 : i32
      %eq3A_73 = arith.cmpi eq, %select_n3A_71, %eq3A_72 : i32
      %select_n3A_74 = arith.constant 5 : i32
      %select_n3A_75 = arith.select %eq3A_73, %select_n3A_74, %select_n3A_71 : i32
      %add3A_76 = arith.addi %select_n3A_75, %mul3A_6 : i32
      %sub3A_77 = arith.constant 1 : i32
      %sub3A_78 = arith.subi %select_n3A_75, %sub3A_77 : i32
      %select_n3A_79 = arith.constant true
      %select_n3A_80 = arith.select %select_n3A_79, %sub3A_78, %select_n3A_75 : i32
      %eq3A_81 = arith.constant -1 : i32
      %eq3A_82 = arith.cmpi eq, %select_n3A_80, %eq3A_81 : i32
      %select_n3A_83 = arith.constant 5 : i32
      %select_n3A_84 = arith.select %eq3A_82, %select_n3A_83, %select_n3A_80 : i32
      %add3A_85 = arith.addi %select_n3A_84, %mul3A_6 : i32
      %add3A_86 = arith.constant 1 : i32
      %add3A_87 = arith.addi %select_n3A_75, %add3A_86 : i32
      %select_n3A_88 = arith.constant true
      %select_n3A_89 = arith.select %select_n3A_88, %add3A_87, %select_n3A_75 : i32
      %eq3A_90 = arith.constant 6 : i32
      %eq3A_91 = arith.cmpi eq, %select_n3A_89, %eq3A_90 : i32
      %select_n3A_92 = arith.constant 0 : i32
      %select_n3A_93 = arith.select %eq3A_91, %select_n3A_92, %select_n3A_89 : i32
      %add3A_94 = arith.addi %select_n3A_93, %mul3A_6 : i32
      %add3A_95 = arith.constant 1 : i32
      %add3A_96 = arith.addi %select_n3A_93, %add3A_95 : i32
      %select_n3A_97 = arith.constant true
      %select_n3A_98 = arith.select %select_n3A_97, %add3A_96, %select_n3A_93 : i32
      %eq3A_99 = arith.constant 6 : i32
      %eq3A_100 = arith.cmpi eq, %select_n3A_98, %eq3A_99 : i32
      %select_n3A_101 = arith.constant 0 : i32
      %select_n3A_102 = arith.select %eq3A_100, %select_n3A_101, %select_n3A_98 : i32
      %add3A_103 = arith.addi %select_n3A_102, %mul3A_6 : i32
      "tpu.trace_start"() <{level = 10 : i32, message = "ep_finalize"}> : () -> ()
      %rem3A_104 = arith.constant 2 : i32
      %rem3A_105 = arith.remui %scan3A_67#3, %rem3A_104 : i32
      %mul3A_106 = arith.constant 4 : i32
      %mul3A_107 = arith.muli %mul3A_106, %add3A_76 : i32
      %dma_wait3A = arith.constant 0 : i32
      %dma_wait3A_108 = arith.constant 0 : i32
      %dma_wait3A_109 = tpu.memref_slice %run_scoped3A_8[%rem3A_105, %dma_wait3A, %dma_wait3A_108] : memref<2x4x2048xf32, #tpu.memory_space<vmem>> -> memref<1x4x2048xf32, #tpu.memory_space<vmem>>
      %dma_wait3A_110 = tpu.memref_squeeze %dma_wait3A_109 : memref<1x4x2048xf32, #tpu.memory_space<vmem>> -> memref<4x2048xf32, #tpu.memory_space<vmem>>
      %dma_wait3A_111 = arith.constant 0 : i32
      %dma_wait3A_112 = tpu.memref_slice %arg4[%mul3A_107, %dma_wait3A_111] : memref<768x2048xf32, #tpu.memory_space<hbm>> -> memref<4x2048xf32, #tpu.memory_space<hbm>>
      %dma_wait3A_113 = tpu.memref_slice %run_scoped3A_9[%rem3A_105] : memref<2x!tpu.dma_semaphore, #tpu.memory_space<semaphore_mem>> -> memref<1x!tpu.dma_semaphore, #tpu.memory_space<semaphore_mem>>
      %dma_wait3A_114 = tpu.memref_squeeze %dma_wait3A_113 : memref<1x!tpu.dma_semaphore, #tpu.memory_space<semaphore_mem>> -> memref<!tpu.dma_semaphore, #tpu.memory_space<semaphore_mem>>
      %dma_wait3A_115 = arith.constant 0 : i32
      %dma_wait3A_116 = tpu.memref_slice %arg4[%mul3A_107, %dma_wait3A_115] : memref<768x2048xf32, #tpu.memory_space<hbm>> -> memref<4x2048xf32, #tpu.memory_space<hbm>>
      %dma_wait3A_117 = arith.constant 0 : i32
      %dma_wait3A_118 = arith.constant 0 : i32
      %dma_wait3A_119 = tpu.memref_slice %run_scoped3A_8[%rem3A_105, %dma_wait3A_117, %dma_wait3A_118] : memref<2x4x2048xf32, #tpu.memory_space<vmem>> -> memref<1x4x2048xf32, #tpu.memory_space<vmem>>
      %dma_wait3A_120 = tpu.memref_squeeze %dma_wait3A_119 : memref<1x4x2048xf32, #tpu.memory_space<vmem>> -> memref<4x2048xf32, #tpu.memory_space<vmem>>
      tpu.wait_dma2 semaphore(%dma_wait3A_114 : memref<!tpu.dma_semaphore, #tpu.memory_space<semaphore_mem>>) src(%dma_wait3A_120 : memref<4x2048xf32, #tpu.memory_space<vmem>>) dst(%dma_wait3A_116 : memref<4x2048xf32, #tpu.memory_space<hbm>>)
      "tpu.trace_stop"() : () -> ()
      tpu.yield
    }) : () -> ()
    return
  }
}

module attributes {stable_mosaic.version = 14 : i64} {
  func.func @_decode_block(%arg0: i32, %arg1: memref<3xf32, #tpu.memory_space<smem>>, %arg2: memref<256x2048xf32, #tpu.memory_space<vmem>>, %arg3: memref<4096x8192xf32, #tpu.memory_space<hbm>>, %arg4: memref<256x8192xf32, #tpu.memory_space<vmem>>) attributes {dimension_semantics = [#tpu.dimension_semantics<arbitrary>], iteration_bounds = array<i64: 3>, scalar_prefetch = 0 : i64, scratch_operands = 0 : i64, tpu.core_type = #tpu.core_type<tc>, window_params = [{transform_indices = @transform_0, window_bounds = array<i64: 3>}, {transform_indices = @transform_1, window_bounds = array<i64: 256, 2048>}, {}, {transform_indices = @transform_3, window_bounds = array<i64: 256, 8192>}]} {
    %get3A = arith.constant 0 : index
    %get3A_0 = memref.load %arg1[%get3A] : memref<3xf32, #tpu.memory_space<smem>>
    %get3A_1 = arith.constant 1 : index
    %get3A_2 = memref.load %arg1[%get3A_1] : memref<3xf32, #tpu.memory_space<smem>>
    %get3A_3 = arith.constant 2 : index
    %get3A_4 = memref.load %arg1[%get3A_3] : memref<3xf32, #tpu.memory_space<smem>>
    %get3A_5 = arith.constant 0 : index
    %get3A_6 = arith.constant 0 : index
    %get3A_7 = vector.load %arg2[%get3A_5, %get3A_6] : memref<256x2048xf32, #tpu.memory_space<vmem>>, vector<256x2048xf32>
    %mul3A = arith.constant 1.562500e-02 : f32
    %mul3A_8 = vector.broadcast %mul3A : f32 to vector<256x2048xf32>
    %mul3A_9 = arith.mulf %get3A_7, %mul3A_8 : vector<256x2048xf32>
    %floor3A = math.floor %mul3A_9 : vector<256x2048xf32>
    %mul3A_10 = arith.constant 6.400000e+01 : f32
    %mul3A_11 = vector.broadcast %mul3A_10 : f32 to vector<256x2048xf32>
    %mul3A_12 = arith.mulf %mul3A_11, %floor3A : vector<256x2048xf32>
    %sub3A = arith.subf %get3A_7, %mul3A_12 : vector<256x2048xf32>
    %mul3A_13 = arith.constant 6.250000e-02 : f32
    %mul3A_14 = vector.broadcast %mul3A_13 : f32 to vector<256x2048xf32>
    %mul3A_15 = arith.mulf %sub3A, %mul3A_14 : vector<256x2048xf32>
    %floor3A_16 = math.floor %mul3A_15 : vector<256x2048xf32>
    %mul3A_17 = arith.constant 1.600000e+01 : f32
    %mul3A_18 = vector.broadcast %mul3A_17 : f32 to vector<256x2048xf32>
    %mul3A_19 = arith.mulf %mul3A_18, %floor3A_16 : vector<256x2048xf32>
    %sub3A_20 = arith.subf %sub3A, %mul3A_19 : vector<256x2048xf32>
    %mul3A_21 = arith.constant 2.500000e-01 : f32
    %mul3A_22 = vector.broadcast %mul3A_21 : f32 to vector<256x2048xf32>
    %mul3A_23 = arith.mulf %sub3A_20, %mul3A_22 : vector<256x2048xf32>
    %floor3A_24 = math.floor %mul3A_23 : vector<256x2048xf32>
    %mul3A_25 = arith.constant 4.000000e+00 : f32
    %mul3A_26 = vector.broadcast %mul3A_25 : f32 to vector<256x2048xf32>
    %mul3A_27 = arith.mulf %mul3A_26, %floor3A_24 : vector<256x2048xf32>
    %sub3A_28 = arith.subf %sub3A_20, %mul3A_27 : vector<256x2048xf32>
    %gt3A = arith.constant 1.500000e+00 : f32
    %gt3A_29 = vector.broadcast %gt3A : f32 to vector<256x2048xf32>
    %gt3A_30 = arith.cmpf ogt, %sub3A_28, %gt3A_29 : vector<256x2048xf32>
    %gt3A_31 = arith.constant 5.000000e-01 : f32
    %gt3A_32 = vector.broadcast %gt3A_31 : f32 to vector<256x2048xf32>
    %gt3A_33 = arith.cmpf ogt, %sub3A_28, %gt3A_32 : vector<256x2048xf32>
    %broadcast_in_dim3A = vector.broadcast %get3A_2 : f32 to vector<256x2048xf32>
    %broadcast_in_dim3A_34 = vector.broadcast %get3A_0 : f32 to vector<256x2048xf32>
    %select_n3A = arith.select %gt3A_33, %broadcast_in_dim3A, %broadcast_in_dim3A_34 : vector<256x2048xi1>, vector<256x2048xf32>
    %broadcast_in_dim3A_35 = vector.broadcast %get3A_4 : f32 to vector<256x2048xf32>
    %select_n3A_36 = arith.select %gt3A_30, %broadcast_in_dim3A_35, %select_n3A : vector<256x2048xi1>, vector<256x2048xf32>
    %swap3A = arith.constant 0 : index
    %swap3A_37 = arith.constant 0 : index
    %swap3A_38 = vector.load %arg4[%swap3A, %swap3A_37] : memref<256x8192xf32, #tpu.memory_space<vmem>>, vector<256x2048xf32>
    tpu.vector_store %arg4[%swap3A, %swap3A_37], %select_n3A_36 {strides = array<i32>} : memref<256x8192xf32, #tpu.memory_space<vmem>>, vector<256x2048xf32>,
    %gt3A_39 = arith.constant 1.500000e+00 : f32
    %gt3A_40 = vector.broadcast %gt3A_39 : f32 to vector<256x2048xf32>
    %gt3A_41 = arith.cmpf ogt, %floor3A_24, %gt3A_40 : vector<256x2048xf32>
    %gt3A_42 = arith.constant 5.000000e-01 : f32
    %gt3A_43 = vector.broadcast %gt3A_42 : f32 to vector<256x2048xf32>
    %gt3A_44 = arith.cmpf ogt, %floor3A_24, %gt3A_43 : vector<256x2048xf32>
    %broadcast_in_dim3A_45 = vector.broadcast %get3A_2 : f32 to vector<256x2048xf32>
    %broadcast_in_dim3A_46 = vector.broadcast %get3A_0 : f32 to vector<256x2048xf32>
    %select_n3A_47 = arith.select %gt3A_44, %broadcast_in_dim3A_45, %broadcast_in_dim3A_46 : vector<256x2048xi1>, vector<256x2048xf32>
    %broadcast_in_dim3A_48 = vector.broadcast %get3A_4 : f32 to vector<256x2048xf32>
    %select_n3A_49 = arith.select %gt3A_41, %broadcast_in_dim3A_48, %select_n3A_47 : vector<256x2048xi1>, vector<256x2048xf32>
    %swap3A_50 = arith.constant 0 : index
    %swap3A_51 = arith.constant 2048 : index
    %swap3A_52 = vector.load %arg4[%swap3A_50, %swap3A_51] : memref<256x8192xf32, #tpu.memory_space<vmem>>, vector<256x2048xf32>
    tpu.vector_store %arg4[%swap3A_50, %swap3A_51], %select_n3A_49 {strides = array<i32>} : memref<256x8192xf32, #tpu.memory_space<vmem>>, vector<256x2048xf32>,
    %gt3A_53 = arith.constant 1.500000e+00 : f32
    %gt3A_54 = vector.broadcast %gt3A_53 : f32 to vector<256x2048xf32>
    %gt3A_55 = arith.cmpf ogt, %floor3A_16, %gt3A_54 : vector<256x2048xf32>
    %gt3A_56 = arith.constant 5.000000e-01 : f32
    %gt3A_57 = vector.broadcast %gt3A_56 : f32 to vector<256x2048xf32>
    %gt3A_58 = arith.cmpf ogt, %floor3A_16, %gt3A_57 : vector<256x2048xf32>
    %broadcast_in_dim3A_59 = vector.broadcast %get3A_2 : f32 to vector<256x2048xf32>
    %broadcast_in_dim3A_60 = vector.broadcast %get3A_0 : f32 to vector<256x2048xf32>
    %select_n3A_61 = arith.select %gt3A_58, %broadcast_in_dim3A_59, %broadcast_in_dim3A_60 : vector<256x2048xi1>, vector<256x2048xf32>
    %broadcast_in_dim3A_62 = vector.broadcast %get3A_4 : f32 to vector<256x2048xf32>
    %select_n3A_63 = arith.select %gt3A_55, %broadcast_in_dim3A_62, %select_n3A_61 : vector<256x2048xi1>, vector<256x2048xf32>
    %swap3A_64 = arith.constant 0 : index
    %swap3A_65 = arith.constant 4096 : index
    %swap3A_66 = vector.load %arg4[%swap3A_64, %swap3A_65] : memref<256x8192xf32, #tpu.memory_space<vmem>>, vector<256x2048xf32>
    tpu.vector_store %arg4[%swap3A_64, %swap3A_65], %select_n3A_63 {strides = array<i32>} : memref<256x8192xf32, #tpu.memory_space<vmem>>, vector<256x2048xf32>,
    %gt3A_67 = arith.constant 1.500000e+00 : f32
    %gt3A_68 = vector.broadcast %gt3A_67 : f32 to vector<256x2048xf32>
    %gt3A_69 = arith.cmpf ogt, %floor3A, %gt3A_68 : vector<256x2048xf32>
    %gt3A_70 = arith.constant 5.000000e-01 : f32
    %gt3A_71 = vector.broadcast %gt3A_70 : f32 to vector<256x2048xf32>
    %gt3A_72 = arith.cmpf ogt, %floor3A, %gt3A_71 : vector<256x2048xf32>
    %broadcast_in_dim3A_73 = vector.broadcast %get3A_2 : f32 to vector<256x2048xf32>
    %broadcast_in_dim3A_74 = vector.broadcast %get3A_0 : f32 to vector<256x2048xf32>
    %select_n3A_75 = arith.select %gt3A_72, %broadcast_in_dim3A_73, %broadcast_in_dim3A_74 : vector<256x2048xi1>, vector<256x2048xf32>
    %broadcast_in_dim3A_76 = vector.broadcast %get3A_4 : f32 to vector<256x2048xf32>
    %select_n3A_77 = arith.select %gt3A_69, %broadcast_in_dim3A_76, %select_n3A_75 : vector<256x2048xi1>, vector<256x2048xf32>
    %swap3A_78 = arith.constant 0 : index
    %swap3A_79 = arith.constant 6144 : index
    %swap3A_80 = vector.load %arg4[%swap3A_78, %swap3A_79] : memref<256x8192xf32, #tpu.memory_space<vmem>>, vector<256x2048xf32>
    tpu.vector_store %arg4[%swap3A_78, %swap3A_79], %select_n3A_77 {strides = array<i32>} : memref<256x8192xf32, #tpu.memory_space<vmem>>, vector<256x2048xf32>,
    return
  }
  func.func @transform_0(%arg0: i32) -> i32 {
    %c0_i32 = arith.constant 0 : i32
    %c0_i32_0 = arith.constant 0 : i32
    return %c0_i32 : i32
  }
  func.func @transform_1(%arg0: i32) -> (i32, i32) {
    %c0_i32 = arith.constant 0 : i32
    %c0_i32_0 = arith.constant 0 : i32
    return %arg0, %c0_i32 : i32, i32
  }
  func.func @transform_3(%arg0: i32) -> (i32, i32) {
    %c0_i32 = arith.constant 0 : i32
    %c0_i32_0 = arith.constant 0 : i32
    return %arg0, %c0_i32 : i32, i32
  }
}

module attributes {stable_mosaic.version = 14 : i64} {
  func.func @_quantize_block(%arg0: i32, %arg1: memref<3xf32, #tpu.memory_space<smem>>, %arg2: memref<256x8192xf32, #tpu.memory_space<vmem>>, %arg3: memref<256x8192xf32, #tpu.memory_space<vmem>>) attributes {dimension_semantics = [#tpu.dimension_semantics<arbitrary>], iteration_bounds = array<i64: 13>, scalar_prefetch = 0 : i64, scratch_operands = 0 : i64, tpu.core_type = #tpu.core_type<tc>, window_params = [{transform_indices = @transform_0, window_bounds = array<i64: 3>}, {transform_indices = @transform_1, window_bounds = array<i64: 256, 8192>}, {transform_indices = @transform_2, window_bounds = array<i64: 256, 8192>}]} {
    %get3A = arith.constant 0 : index
    %get3A_0 = memref.load %arg1[%get3A] : memref<3xf32, #tpu.memory_space<smem>>
    %get3A_1 = arith.constant 1 : index
    %get3A_2 = memref.load %arg1[%get3A_1] : memref<3xf32, #tpu.memory_space<smem>>
    %get3A_3 = arith.constant 2 : index
    %get3A_4 = memref.load %arg1[%get3A_3] : memref<3xf32, #tpu.memory_space<smem>>
    %add3A = arith.addf %get3A_0, %get3A_2 : f32
    %mul3A = arith.constant 5.000000e-01 : f32
    %mul3A_5 = arith.mulf %add3A, %mul3A : f32
    %add3A_6 = arith.addf %get3A_2, %get3A_4 : f32
    %mul3A_7 = arith.constant 5.000000e-01 : f32
    %mul3A_8 = arith.mulf %add3A_6, %mul3A_7 : f32
    %get3A_9 = arith.constant 0 : index
    %get3A_10 = arith.constant 0 : index
    %get3A_11 = vector.load %arg2[%get3A_9, %get3A_10] : memref<256x8192xf32, #tpu.memory_space<vmem>>, vector<256x8192xf32>
    %gt3A = vector.broadcast %mul3A_8 : f32 to vector<256x8192xf32>
    %gt3A_12 = arith.cmpf ogt, %get3A_11, %gt3A : vector<256x8192xf32>
    %gt3A_13 = vector.broadcast %mul3A_5 : f32 to vector<256x8192xf32>
    %gt3A_14 = arith.cmpf ogt, %get3A_11, %gt3A_13 : vector<256x8192xf32>
    %broadcast_in_dim3A = vector.broadcast %get3A_2 : f32 to vector<256x8192xf32>
    %broadcast_in_dim3A_15 = vector.broadcast %get3A_0 : f32 to vector<256x8192xf32>
    %select_n3A = arith.select %gt3A_14, %broadcast_in_dim3A, %broadcast_in_dim3A_15 : vector<256x8192xi1>, vector<256x8192xf32>
    %broadcast_in_dim3A_16 = vector.broadcast %get3A_4 : f32 to vector<256x8192xf32>
    %select_n3A_17 = arith.select %gt3A_12, %broadcast_in_dim3A_16, %select_n3A : vector<256x8192xi1>, vector<256x8192xf32>
    %swap3A = arith.constant 0 : index
    %swap3A_18 = arith.constant 0 : index
    %swap3A_19 = vector.load %arg3[%swap3A, %swap3A_18] : memref<256x8192xf32, #tpu.memory_space<vmem>>, vector<256x8192xf32>
    tpu.vector_store %arg3[%swap3A, %swap3A_18], %select_n3A_17 {strides = array<i32>} : memref<256x8192xf32, #tpu.memory_space<vmem>>, vector<256x8192xf32>,
    return
  }
  func.func @transform_0(%arg0: i32) -> i32 {
    %c0_i32 = arith.constant 0 : i32
    %c0_i32_0 = arith.constant 0 : i32
    return %c0_i32 : i32
  }
  func.func @transform_1(%arg0: i32) -> (i32, i32) {
    %add3A = arith.constant 3 : i32
    %add3A_0 = arith.addi %arg0, %add3A : i32
    %c0_i32 = arith.constant 0 : i32
    %c0_i32_1 = arith.constant 0 : i32
    return %add3A_0, %c0_i32 : i32, i32
  }
  func.func @transform_2(%arg0: i32) -> (i32, i32) {
    %add3A = arith.constant 3 : i32
    %add3A_0 = arith.addi %arg0, %add3A : i32
    %c0_i32 = arith.constant 0 : i32
    %c0_i32_1 = arith.constant 0 : i32
    return %add3A_0, %c0_i32 : i32, i32
  }
}

</mosaic_0001>

<sc_bundles>
// kernel: kernel.5.cloned.1.call-start
scs
__scs_entry_jumppad:
0x0: {  	(pc) =	sbr.rel $0x88, $3  }
0x1: {  	(tag) =	ssettag $0x0;
	lr =	simm.s32 $0x1  }
0x2: {  	[smem:$0x3F9F] =	sst lr;
	_ =	strace $0xD0000000  }
0x3: {  	_ = 	snop  }
0x4: {  	_ = 	snop  }
0x5: {  	_ = 	snop  }
0x6: {  	_ = 	snop  }
0x7: {  	_ = 	snop  }
__scs_overlays_trampoline_lowered:
0x8: {  	[smem:$0x3FAE] =	sst s0  }
0x9: {  	[smem:$0x3FAF] =	sst s1  }
0xa: {  	[smem:$0x3FB0] =	sst s2  }
0xb: {  	[smem:$0x3FB1] =	sst s3  }
0xc: {  	[smem:$0x3FB2] =	sst s4  }
0xd: {  	[smem:$0x3FB3] =	sst s5  }
0xe: {  	[smem:$0x3FB4] =	sst s6  }
0xf: {  	[smem:$0x3FB5] =	sst s7  }
0x10: {  	[smem:$0x3FB6] =	sst s8  }
0x11: {  	[smem:$0x3FB7] =	sst s9;
	s0 =	simm.s32 @!p0 $0x0  }
0x12: {  	s1 =	sld [smem:$0x3F9D];
	s0 =	simm.s32 @p0 $0x1  }
0x13: {  	[smem:$0x3FB8] =	sst s0;
	s0 =	simm.s32 @!p1 $0x0  }
0x14: {  	s2 =	sld [smem:$0x3F9C];
	s0 =	simm.s32 @p1 $0x1  }
0x15: {  	[smem:$0x3FB9] =	sst s0;
	s0 =	simm.s32 @!p2 $0x0  }
0x16: {  	s3 =	sld [smem:$0x3FDB];
	s0 =	simm.s32 @p2 $0x1  }
0x17: {  	s4 =	simm.s32 $0x1BF5;
	[smem:$0x3FBB] =	sst s0  }
0x18: {  	s0 =	sld [smem:$0x3F9E];
	_ =	swait.ge [sflag:s4], $0x0  }
0x19: {  	s7 =	sld [smem:$0x3F9F]  }
0x1a: {  	s8 =	sadd.s32 $0xFFFFE003, lr  }
0x1b: {  	s9 =	sadd.s32 $0xFFFFFEF7, lr;
	s5 =	simm.s32 $0xFFFFFFFF;
	p2 =	slt.u32 s8, $0xFFFFF086  }
0x1c: {  	p1 =	slt.u32 s9, $0xF7A;
	s5 =	simm.s32 @!p2 $0x0  }
0x1d: {  	s5 =	simm.s32 @p1 $0x1;
	p0 =	seq.s32 s7, s2  }
0x1e: {  	s7 =	smul.u32 @!p0 $0xF7A, s2;
	p2 =	seq.s32 @!p0 s5, $0x0  }
0x1f: {  	s9 =	smul.u32 $0xF7A, s1;
	s8 =	simm.s32 @!p0 $0x1BF5;
	p2 =	por !p2, p0  }
0x20: {  	[sflag:s8] =	ssyncset.s32 @!p0 $0xFFFFF086;
	s6 =	sadd.s32 @!p0 s3, s7;
	s7 =	simm.s32 @!p0 $0x108  }
0x21: {  	s3 =	sadd.s32 s3, s9;
	s6 =	sadd.s32 @!p0 $0x88, s6;
	s7 =	simm.s32 @p2 $0x1082  }
0x22: {  	[simem:s7], [sflag:s8] =	dma.local @!p0 [hbm:s6], $0xF7A  }
0x23: {  	s9 =	sor.u32 $0xD0000000, s2;
	s6 =	simm.s32 $0x108;
	_ =	swait.ge @!p0 [sflag:s8], $0x0  }
0x24: {  	s3 =	sadd.s32 $0x88, s3;
	s6 =	simm.s32 @!p1 $0x1082;
	[sflag:s4] =	ssyncset.s32 $0xFFFFF086  }
0x25: {  	[simem:s6], [sflag:s4] =	dma.local [hbm:s3], $0xF7A  }
0x26: {  	[smem:$0x3F9F] =	sst s1;
	(tag) =	ssettag s2;
	_ =	strace s9  }
0x27: {  	s1 =	sld [smem:$0x3FAF]  }
0x28: {  	s2 =	sld [smem:$0x3FB0]  }
0x29: {  	s4 =	sld [smem:$0x3FB2]  }
0x2a: {  	p0 =	seq.s32 s5, $0x0;
	s5 =	sld [smem:$0x3FB3]  }
0x2b: {  	s6 =	sld [smem:$0x3FB4]  }
0x2c: {  	s7 =	sld [smem:$0x3FB5]  }
0x2d: {  	s3 =	simm.s32 $0x108;
	s8 =	sld [smem:$0x3FB6]  }
0x2e: {  	s3 =	simm.s32 @!p0 $0x1082;
	s9 =	sld [smem:$0x3FB7]  }
0x2f: {  	lr =	sadd.s32 s0, s3;
	s0 =	sld [smem:$0x3FAE]  }
0x30: {  	s3 =	sld [smem:$0x3FB1]  }
0x31: {  	[smem:$0x3FBA] =	sst s10  }
0x32: {  	s10 =	sld [smem:$0x3FB8];
	_ =	sdelay $0x3  }
0x33: {  	p0 =	seq.s32 s10, $0x1;
	s10 =	sld [smem:$0x3FBA];
	_ =	sdelay $0x3  }
0x34: {  	[smem:$0x3FBA] =	sst s10  }
0x35: {  	s10 =	sld [smem:$0x3FB9];
	_ =	sdelay $0x3  }
0x36: {  	p1 =	seq.s32 s10, $0x1;
	s10 =	sld [smem:$0x3FBA];
	_ =	sdelay $0x3  }
0x37: {  	[smem:$0x3FBA] =	sst s10  }
0x38: {  	s10 =	sld [smem:$0x3FBB]  }
0x39: {  	_ = 	snop;
	(pc) =	sbr.ind lr, $3  }
0x3a: {  	_ = 	snop  }
0x3b: {  	_ = 	snop  }
0x3c: {  	p2 =	seq.s32 s10, $0x1;
	s10 =	sld [smem:$0x3FBA]  }
0x3d: {  	_ =	shalt  }
0x3e: {  	_ =	shalt  }
0x3f: {  	_ =	shalt  }
0x40: {  	_ =	shalt  }
0x41: {  	_ =	shalt  }
0x42: {  	_ =	shalt  }
0x43: {  	_ =	shalt  }
0x44: {  	_ =	shalt  }
0x45: {  	_ =	shalt  }
0x46: {  	_ =	shalt  }
0x47: {  	_ =	shalt  }
0x48: {  	_ =	shalt  }
0x49: {  	_ =	shalt  }
0x4a: {  	_ =	shalt  }
0x4b: {  	_ =	shalt  }
0x4c: {  	_ =	shalt  }
0x4d: {  	_ =	shalt  }
0x4e: {  	_ =	shalt  }
0x4f: {  	_ =	shalt  }
0x50: {  	_ =	shalt  }
0x51: {  	_ =	shalt  }
0x52: {  	_ =	shalt  }
0x53: {  	_ =	shalt  }
0x54: {  	_ =	shalt  }
0x55: {  	_ =	shalt  }
0x56: {  	_ =	shalt  }
0x57: {  	_ =	shalt  }
0x58: {  	_ =	shalt  }
0x59: {  	_ =	shalt  }
0x5a: {  	_ =	shalt  }
0x5b: {  	_ =	shalt  }
0x5c: {  	_ =	shalt  }
0x5d: {  	_ =	shalt  }
0x5e: {  	_ =	shalt  }
0x5f: {  	_ =	shalt  }
0x60: {  	_ =	shalt  }
0x61: {  	_ =	shalt  }
0x62: {  	_ =	shalt  }
0x63: {  	_ =	shalt  }
0x64: {  	_ =	shalt  }
0x65: {  	_ =	shalt  }
0x66: {  	_ =	shalt  }
0x67: {  	_ =	shalt  }
0x68: {  	_ =	shalt  }
0x69: {  	_ =	shalt  }
0x6a: {  	_ =	shalt  }
0x6b: {  	_ =	shalt  }
0x6c: {  	_ =	shalt  }
0x6d: {  	_ =	shalt  }
0x6e: {  	_ =	shalt  }
0x6f: {  	_ =	shalt  }
0x70: {  	_ =	shalt  }
0x71: {  	_ =	shalt  }
0x72: {  	_ =	shalt  }
0x73: {  	_ =	shalt  }
0x74: {  	_ =	shalt  }
0x75: {  	_ =	shalt  }
0x76: {  	_ =	shalt  }
0x77: {  	_ =	shalt  }
0x78: {  	_ =	shalt  }
0x79: {  	_ =	shalt  }
0x7a: {  	_ =	shalt  }
0x7b: {  	_ =	shalt  }
0x7c: {  	_ =	shalt  }
0x7d: {  	_ =	shalt  }
0x7e: {  	_ =	shalt  }
0x7f: {  	_ =	shalt  }
0x80: {  	_ =	shalt  }
0x81: {  	_ =	shalt  }
0x82: {  	_ =	shalt  }
0x83: {  	_ =	shalt  }
0x84: {  	_ =	shalt  }
0x85: {  	_ =	shalt  }
0x86: {  	_ =	shalt  }
0x87: {  	_ =	shalt  }
.Lfunc_end0:
.L_simem_size_0:
called_computation_lowered:
.L_overlay_start_0:
0x88: {  	s2 =	sld [smem:$0x3FD9]  }
0x89: {  	s3 =	sld [smem:$0x3FFE];
	_ =	sdelay $0x1  }
0x8a: {  	s1 =	srdreg.scid  }
0x8b: {  	s0 =	sand.u32 $0x1, s1  }
0x8c: {  	s17 =	sshll.u32 s0, $0xA;
	s2 =	sadd.s32 s3, s2  }
0x8d: {  	s2 =	sadd.s32 s2, s17  }
0x8e: {  	[smem:$0x3FC6] =	sst s2  }
0x8f: {  	_ = 	snop  }
0x90: {  	s2 =	sld [smem:$0x3FC9];
	(tm) =	ssettm $0x1  }
0x91: {  	s18 =	sld [smem:$0x3FFB];
	_ =	sdelay $0x3  }
0x92: {  	_ =	strace s18  }
0x93: {  	s3 =	sld [smem:$0x3FFC];
	_ =	sdelay $0x3  }
0x94: {  	_ =	strace s3  }
0x95: {  	s3 =	sld [smem:$0x3FFD];
	_ =	sdelay $0x3  }
0x96: {  	_ =	strace s3  }
0x97: {  	_ =	strace $0x8FFFFFFF  }
0x98: {  	s19 =	sld [smem:$0x3FDB];
	_ =	sdelay $0x1  }
0x99: {  	s4 =	simm.s32 $_scs_section_size  }
0x9a: {  	s5 =	simm.s32 $_size__tile_overlayer_lowered;
	s6 =	simm.s32 $_tile_overlayer_lowered  }
0x9b: {  	s22 =	simm.s32 $0x1BFF;
	s21 =	sshll.u32 s6, $0x1;
	s3 =	sadd.s32 s4, s19  }
0x9c: {  	s7 =	simm.s32 $0x0;
	s20 =	sshll.u32 s5, $0x1;
	s5 =	sadd.s32 s21, s3  }
0x9d: {  	[timem:s7], [sflag:s22] =	dma.local [hbm:s5], s20  }
0x9e: {  	_ =	swait.ge [sflag:s22], s20  }
0x9f: {  	s4 =	ssub.s32 $0x0, s20;
	[sflag:s22] =	ssyncset.done $0x0  }
0xa0: {  	[sflag:s22] =	ssyncadd.s32 s4;
	_ =	sdelay $0x1  }
0xa1: {  	s23 =	simm.s32 $0x1B8B  }
0xa2: {  	_ =	swait.ge [sflag:s23], $0x1  }
0xa3: {  	[sflag:s23] =	ssyncset.done $0x0  }
0xa4: {  	s25 =	simm.s32 $0x1B8E;
	s24 =	sld [smem:$0x3FFE];
	[sflag:s23] =	ssyncadd.s32 $0xFFFFFFFF  }
0xa5: {  	s26 =	simm.s32 $execute0_lowered;
	[smem:$0x3FD2] =	sst s25  }
0xa6: {  	s5 =	sshll.u32 s26, $0x1;
	_ =	strace $0x80000046;
	[dreg:$0x1] =	wrdreg $0xFFFFFFFF  }
0xa7: {  	s28 =	simm.s32 $_size_execute0_lowered;
	s3 =	sadd.s32 s3, s5;
	[dreg:$0x0] =	wrdreg $0x0  }
0xa8: {  	s5 =	sshll.u32 s28, $0x1;
	[dreg:$0x2] =	wrdreg s3  }
0xa9: {  	[dreg:$0x3] =	wrdreg s5  }
0xaa: {  	[dreg:$0x4] =	wrdreg $0xC0  }
0xab: {  	_ =	task [dreg:s7], $0x5FFFF  }
0xac: {  	[dreg:$0x1] =	wrdreg $0xFFFFFFFF  }
0xad: {  	[dreg:$0x0] =	wrdreg $0x60  }
0xae: {  	[dreg:$0x2] =	wrdreg s2  }
0xaf: {  	[dreg:$0x3] =	wrdreg s24  }
0xb0: {  	[dreg:$0x4] =	wrdreg $0x9  }
0xb1: {  	_ =	task.clear_ibuf [dreg:s7], $0x5FFFF;
	_ =	strace $0x90000046  }
0xb2: {  	s29 =	simm.s32 $0x9;
	_ =	strace $0x8000004F  }
0xb3: {  	_ =	swait.ge [sflag:s29], $0x1  }
0xb4: {  	[sflag:s29] =	ssyncadd.s32 $0xFFFFFFFF  }
0xb5: {  	_ =	strace $0x9000004F  }
0xb6: {  	_ =	sfence  }
0xb7: {  	s30 =	sld [smem:$0x0];
	_ =	sdelay $0x2  }
0xb8: {  	s31 =	sshll.u32 s1, $0xD;
	s1 =	sshrl.u32 s1, $0x2  }
0xb9: {  	s3 =	sand.u32 $0x4000, s31;
	s1 =	sadd.s32 s1, s30  }
0xba: {  	s0 =	sor.u32 s3, s0;
	s1 =	sshll.u32 s1, $0x11  }
0xbb: {  	s0 =	sor.u32 s1, s0  }
0xbc: {  	s0 =	sadd.s32 $0x8F2B, s0  }
0xbd: {  	[sflag:s0] =	ssyncadd.remote.s32 $0x1  }
0xbe: {  	_ =	sfence.sel $0xFFFF  }
0xbf: {  	[dreg:$0x0] =	wrdreg $0xFFFFFFFF;
	(pc) =	sbr.abs _section_cstart, $3  }
0xc0: {  	[dreg:$0x1] =	wrdreg $0xFFFFFFFF  }
0xc1: {  	_ =	task.clear_ibuf [dreg:s7], $0x2FFFF;
	_ =	strace $0x9FFFFFFF  }
0xc2: {  	(tm) =	ssettm $0x7FFFFFFF  }
0xc3: {  	_ =	shalt  }
tec
execute0_lowered:
.L_overlay_start_1:
0x0: {  	(tag) =	ssettag $0x1  }
0x1: {  	s1 =	rddreg [dreg:$0x0]  }
0x2: {  	s0 =	rddreg [dreg:$0x1];
	s2 =	srdreg.scid  }
0x3: {  	s5 =	simm.s32 $0x0;
	s4 =	stileid.u32;
	s12 =	simm.s32 $0x1  }
0x4: {  	s13 =	simm.s32 $0x4;
	s14 =	simm.s32 $0x0;
	s2 =	sand.u32 $0x1, s2  }
0x5: {  	s26 =	simm.s32 $0x0;
	[smem:$0x7FF] =	sst s5;
	s3 =	sshll.u32 s2, $0x4  }
0x6: {  	s30 =	sadd.s32 $0xC00, s0;
	s2 =	ssub.s32 $0x2, s2;
	s3 =	sor.u32 s4, s3  }
0x7: {  	s5 =	sadd.s32 $0xE00, s0;
	s6 =	sshrl.u32 s2, $0x1;
	s7 =	smul.u32 $0x6000, s3  }
0x8: {  	_ =	strace $0x80000047;
	[dreg:$0x3] =	wrdreg s30;
	s31 =	ssub.s32 s2, s6  }
0x9: {  	v0 =	vimm.f32 $0.0e+00;
	s6 =	smul.u32 $0x6, s3;
	s8 =	smax.u32 s31, $0x1;
	s7 =	sadd.s32 s1, s7  }
.LBB2_1:
0xa: {  	s0 =	simm.s32 $0x0;
	s2 =	rddreg [dreg:$0x3]  }
0xb: {  	[tilespmem:s0], [sflag:$0x1] =	stream.linear.gather [hbm4b:s2+s0], $0x80, $0x38;
	[tilespmem:$0x14080] =	vst v63  }
0xc: {  	s30 =	simm.s32 $0x200;
	_ =	swait.ge [sflag:s12], $0x80  }
0xd: {  	s31 =	simm.s32 $0x400;
	s3 =	simm.s32 $0x80;
	[sflag:s12] =	ssyncset.done $0x0  }
0xe: {  	s21 =	simm.s32 $0x0;
	s15 =	simm.s32 $0x0;
	[sflag:s12] =	ssyncadd.s32 $0xFFFFFF80  }
0xf: {  	s16 =	simm.s32 $0x0;
	s17 =	simm.s32 $0x0;
	_ =	strace $0x80000048  }
0x10: {  	[tilespmem:s3], [sflag:$0x1] =	stream.strided.gather [hbm4b:s7+s30], $0x8000, s31, s30, $0x200038;
	[tilespmem:$0x14080] =	vst v63  }
0x11: {  	s18 =	simm.s32 $0x1;
	s19 =	simm.s32 $0x0;
	_ =	strace $0x90000048  }
.LBB2_2:
0x12: {  	s20 =	sadd.s32 $0x1, s21  }
0x13: {  	p0 =	seq.s32 s20, $0x6  }
0x14: {  	s20 =	simm.s32 @p0 $0x0  }
0x15: {  	p6 =	sne.s32 s19, $0x5;
	p1 =	sne.s32 s21, s20  }
0x16: {  	p0 =	por !p6, !p1  }
0x17: {  	p0 =	por !p0, !p0  }
0x18: {  	s0 =	sadd.s32 @p0 s6, s20  }
0x19: {  	s2 =	sshll.u32 @p0 s20, $0x9;
	s0 =	sshll.u32 @p0 s0, $0xF  }
0x1a: {  	s3 =	sand.u32 @p0 $0x1, s18;
	s2 =	sand.u32 @p0 $0x200, s2;
	s0 =	sand.u32 @p0 $0xFFFF0000, s0  }
0x1b: {  	_ =	strace @p0 $0x80000049;
	s9 =	simm.s32 @p0 $0x200;
	s0 =	sor.u32 @p0 s2, s0  }
0x1c: {  	s10 =	simm.s32 @p0 $0x400;
	s2 =	sshll.u32 @p0 s3, $0xF;
	s0 =	sshrl.u32 @p0 s0, $0x3  }
0x1d: {  	s3 =	sadd.s32 @p0 $0x1, s3;
	s2 =	sor.u32 @p0 $0x80, s2;
	s0 =	sadd.s32 @p0 s1, s0  }
0x1e: {  	[tilespmem:s2], [sflag:s3] =	stream.strided.gather @p0 [hbm4b:s0+s9], $0x8000, s10, s9, $0x200038;
	[tilespmem:$0x14080] =	vst v63  }
0x1f: {  	s29 =	sand.u32 $0x1, s17;
	_ =	strace @p0 $0x90000049  }
0x20: {  	s0 =	sadd.s32 $0x1, s29;
	_ =	strace $0x8000004A  }
0x21: {  	_ =	swait.ge [sflag:s0], $0x8000  }
0x22: {  	[sflag:s0] =	ssyncset.done $0x0  }
0x23: {  	[sflag:s0] =	ssyncadd.s32 $0xFFFF8000  }
0x24: {  	_ =	strace $0x9000004A  }
0x25: {  	s30 =	sshll.u32 s17, $0xF;
	s22 =	sand.u32 $0x1, s16;
	_ =	strace $0x8000004B  }
0x26: {  	s24 =	sadd.s32 s6, s21;
	s31 =	sshll.u32 s22, $0xD;
	s0 =	sand.u32 $0x8000, s30;
	v1 =	vld [tilespmem:$0x0]  }
0x27: {  	s28 =	simm.s32 $0x0;
	s23 =	sor.u32 $0x10080, s31;
	s25 =	sor.u32 $0x80, s0;
	v2 =	vld [tilespmem:$0x10]  }
.LBB2_3:
0x28: {  	s30 =	sshll.u32 s28, $0x7;
	s0 =	sand.u32 $0x1E00, s26  }
0x29: {  	v3 =	vmov s30;
	s2 =	sadd.s32 s0, s25  }
0x2a: {  	s31 =	sand.u32 $0x70, s26;
	s3 =	sadd.s32 s30, s2  }
0x2b: {  	s3 =	sadd.s32 s31, s3  }
0x2c: {  	v4 =	vld [tilespmem:s3+$0x0]  }
0x2d: {  	s2 =	sadd.s32 s31, s2  }
0x2e: {  	v5 =	vld.idx.msk [tilespmem:v3+s2+$0x2000 ss:$0x1], $0xffff;
	_ =	sdelay $0x2  }
0x2f: {  	vm0 =	vgt.f32 v4, v1;
	vm1 =	vgt.f32 v4, v2  }
0x30: {  	v4 =	vld.idx.msk [tilespmem:v3+s2+$0x4000 ss:$0x1], $0xffff;
	v6 =	vsel vm0, $0x3F800000, v0;
	v7 =	vsel vm1, $0x3F800000, v0  }
0x31: {  	v6 =	vadd.f32 v7, v6;
	vm10 =	vgt.f32 v5, v1  }
0x32: {  	v7 =	vsel vm10, $0x40800000, v0  }
0x33: {  	vm11 =	vgt.f32 v5, v2;
	v6 =	vadd.f32 v7, v6  }
0x34: {  	v5 =	vld.idx.msk [tilespmem:v3+s2+$0x6000 ss:$0x1], $0xffff;
	v7 =	vsel vm11, $0x40800000, v0  }
0x35: {  	vm12 =	vgt.f32 v4, v1;
	v6 =	vadd.f32 v6, v7  }
0x36: {  	v7 =	vsel vm12, $0x41800000, v0  }
0x37: {  	vm13 =	vgt.f32 v4, v2;
	v6 =	vadd.f32 v6, v7  }
0x38: {  	v4 =	vsel vm13, $0x41800000, v0  }
0x39: {  	vm14 =	vgt.f32 v5, v1;
	v4 =	vadd.f32 v6, v4  }
0x3a: {  	v6 =	vsel vm14, $0x42800000, v0  }
0x3b: {  	s9 =	simm.s32 $0x20;
	s2 =	simm.s32 $0x40;
	vm15 =	vgt.f32 v5, v2;
	v4 =	vadd.f32 v4, v6  }
0x3c: {  	s29 =	sadd.s32 s30, s23;
	s3 =	simm.s32 $0x10;
	s10 =	sand.u32 $0x1E00, s2;
	v5 =	vsel vm15, $0x42800000, v0  }
.LBB2_4:
0x3d: {  	p2 =	sne.s32 s9, $0x7F0;
	s11 =	sadd.s32 s10, s25;
	v4 =	vadd.f32 v4, v5;
	s0 =	sadd.s32 s0, s29  }
0x3e: {  	s4 =	sadd.s32 s30, s11;
	s0 =	sadd.s32 s31, s0;
	s31 =	sand.u32 $0x70, s3  }
0x3f: {  	s3 =	smov.u32 s9;
	s4 =	sadd.s32 s31, s4;
	[tilespmem:s0+$0x0] =	vst v4;
	s0 =	smov.u32 s10  }
0x40: {  	v4 =	vld [tilespmem:s4+$0x0];
	s4 =	sadd.s32 s31, s11  }
0x41: {  	v5 =	vld.idx.msk [tilespmem:v3+s4+$0x2000 ss:$0x1], $0xffff;
	_ =	sdelay $0x3  }
0x42: {  	v6 =	vld.idx.msk [tilespmem:v3+s4+$0x4000 ss:$0x1], $0xffff;
	vm0 =	vgt.f32 v4, v1;
	vm1 =	vgt.f32 v4, v2  }
0x43: {  	v4 =	vsel vm0, $0x3F800000, v0;
	v7 =	vsel vm1, $0x3F800000, v0  }
0x44: {  	vm0 =	vgt.f32 v5, v1;
	v4 =	vadd.f32 v7, v4  }
0x45: {  	v7 =	vsel vm0, $0x40800000, v0  }
0x46: {  	vm0 =	vgt.f32 v5, v2;
	v8 =	vld.idx.msk [tilespmem:v3+s4+$0x6000 ss:$0x1], $0xffff;
	v4 =	vadd.f32 v7, v4  }
0x47: {  	v5 =	vsel vm0, $0x40800000, v0  }
0x48: {  	vm0 =	vgt.f32 v6, v1;
	v4 =	vadd.f32 v4, v5  }
0x49: {  	v5 =	vsel vm0, $0x41800000, v0  }
0x4a: {  	vm0 =	vgt.f32 v6, v2;
	v4 =	vadd.f32 v4, v5  }
.Ltmp0:
0x4b: {  	v5 =	vsel vm0, $0x41800000, v0;
	(pc) =	sbr.rel @p2 .LBB2_4-.Ltmp0, $4  }
0x4c: {  	vm0 =	vgt.f32 v8, v1;
	v4 =	vadd.f32 v4, v5  }
0x4d: {  	v5 =	vsel vm0, $0x42800000, v0  }
0x4e: {  	s2 =	sadd.s32 $0x40, s2;
	vm0 =	vgt.f32 v8, v2;
	v4 =	vadd.f32 v4, v5  }
0x4f: {  	s9 =	sadd.s32 $0x10, s9;
	s10 =	sand.u32 $0x1E00, s2;
	v5 =	vsel vm0, $0x42800000, v0  }
0x50: {  	s2 =	sadd.s32 s10, s25;
	v4 =	vadd.f32 v4, v5;
	s0 =	sadd.s32 s0, s29  }
0x51: {  	s3 =	sand.u32 $0x70, s3;
	s4 =	sadd.s32 s30, s2;
	s0 =	sadd.s32 s31, s0  }
0x52: {  	s4 =	sadd.s32 s3, s4;
	[tilespmem:s0+$0x0] =	vst v4  }
0x53: {  	v4 =	vld [tilespmem:s4+$0x0]  }
0x54: {  	s30 =	sadd.s32 s3, s2  }
0x55: {  	v59 =	vld.idx.msk [tilespmem:v3+s30+$0x2000 ss:$0x1], $0xffff;
	_ =	sdelay $0x2  }
0x56: {  	vm0 =	vgt.f32 v4, v1;
	vm1 =	vgt.f32 v4, v2  }
0x57: {  	v60 =	vld.idx.msk [tilespmem:v3+s30+$0x4000 ss:$0x1], $0xffff;
	v6 =	vsel vm0, $0x3F800000, v0;
	v7 =	vsel vm1, $0x3F800000, v0  }
0x58: {  	vm10 =	vgt.f32 v59, v1;
	v6 =	vadd.f32 v7, v6  }
0x59: {  	v61 =	vsel vm10, $0x40800000, v0  }
0x5a: {  	vm11 =	vgt.f32 v59, v2;
	v6 =	vadd.f32 v61, v6  }
0x5b: {  	v3 =	vld.idx.msk [tilespmem:v3+s30+$0x6000 ss:$0x1], $0xffff;
	v5 =	vsel vm11, $0x40800000, v0  }
0x5c: {  	vm12 =	vgt.f32 v60, v1;
	v5 =	vadd.f32 v6, v5  }
0x5d: {  	v62 =	vsel vm12, $0x41800000, v0  }
0x5e: {  	vm13 =	vgt.f32 v60, v2;
	v5 =	vadd.f32 v5, v62  }
0x5f: {  	v4 =	vsel vm13, $0x41800000, v0  }
0x60: {  	s28 =	sadd.s32 $0x1, s28;
	vm14 =	vgt.f32 v3, v1;
	v4 =	vadd.f32 v5, v4  }
0x61: {  	p2 =	sne.s32 s28, $0x4;
	v63 =	vsel vm14, $0x42800000, v0  }
.Ltmp1:
0x62: {  	vm15 =	vgt.f32 v3, v2;
	v4 =	vadd.f32 v4, v63;
	(pc) =	sbr.rel @p2 .LBB2_3-.Ltmp1, $4  }
0x63: {  	v3 =	vsel vm15, $0x42800000, v0  }
0x64: {  	s31 =	sadd.s32 s10, s29;
	v3 =	vadd.f32 v4, v3  }
0x65: {  	s0 =	sadd.s32 s3, s31  }
0x66: {  	[tilespmem:s0+$0x0] =	vst v3  }
0x67: {  	p2 =	seq.s32 s19, $0x5  }
0x68: {  	p1 =	por p2, p1  }
0x69: {  	s0 =	sshll.u32 @p1 s24, $0xD;
	s2 =	sshll.u32 @p1 s21, $0x9  }
0x6a: {  	s0 =	sand.u32 @p1 $0xFFFFC000, s0;
	s2 =	sand.u32 @p1 $0x200, s2  }
0x6b: {  	_ =	strace $0x9000004B;
	s0 =	sor.u32 @p1 s2, s0  }
0x6c: {  	_ =	strace @p1 $0x8000004C;
	s3 =	simm.s32 @p1 $0x200;
	s0 =	sshrl.u32 @p1 s0, $0x3  }
0x6d: {  	s4 =	simm.s32 @p1 $0x400;
	s2 =	sadd.s32 @p1 $0x3, s22;
	s0 =	sadd.s32 @p1 s5, s0  }
0x6e: {  	[hbm4b:s0+s3] =	stream.strided.scatter @p1 [tilespmem:s23], [sflag:s2], $0x2000, s4, s3, $0x200038;
	[tilespmem:$0x14080] =	vst v63  }
0x6f: {  	s0 =	simm.s32 $0x1  }
0x70: {  	s3 =	simm.s32 $0x1;
	s0 =	simm.s32 @!p0 $0x0;
	p0 =	seq.s32 s19, $0x0  }
0x71: {  	_ =	strace @p1 $0x9000004C;
	s18 =	sadd.s32 s0, s18;
	s0 =	simm.s32 $0x1  }
0x72: {  	s0 =	simm.s32 @!p1 $0x0;
	p1 =	sne.s32 s19, $0x0;
	s19 =	sadd.s32 $0x1, s19  }
0x73: {  	s2 =	sand.u32 @!p0 $0x1, s15;
	s3 =	simm.s32 @!p1 $0x0;
	p1 =	sne.s32 s19, $0x6  }
.Ltmp2:
0x74: {  	_ =	strace @!p0 $0x8000004D;
	s2 =	sadd.s32 @!p0 $0x3, s2;
	(pc) =	sbr.rel @p1 .LBB2_2-.Ltmp2, $4  }
0x75: {  	_ =	swait.ge @!p0 [sflag:s2], $0x2000  }
0x76: {  	[sflag:s2] =	ssyncset.done @!p0 $0x0  }
0x77: {  	s21 =	smov.u32 s20;
	s16 =	sadd.s32 s0, s16;
	[sflag:s2] =	ssyncadd.s32 @!p0 $0xFFFFE000  }
0x78: {  	s17 =	sadd.s32 s0, s17;
	s15 =	sadd.s32 s3, s15;
	_ =	strace @!p0 $0x9000004D  }
0x79: {  	s14 =	sadd.s32 $0x1, s14  }
0x7a: {  	p0 =	sne.s32 s14, s8  }
.Ltmp3:
0x7b: {  	_ =	strace $0x8000004E;
	(pc) =	sbr.rel @p0 .LBB2_1-.Ltmp3, $4  }
0x7c: {  	_ =	swait.ge [sflag:s13], $0x2000  }
0x7d: {  	[sflag:s13] =	ssyncset.done $0x0  }
0x7e: {  	[sflag:s13] =	ssyncadd.s32 $0xFFFFE000  }
0x7f: {  	_ =	strace $0x9000004E  }
0x80: {  	_ =	sfence.sel $0x180000  }
0x81: {  	[bflag:$0x0] =	sbarrier.arrive $0xFFFF  }
0x82: {  	_ =	strace $0x90000047  }
0x83: {  	s0 =	stileid.u32;
	[bflag:$0x2] =	sbarrier.arrive $0xFFFF  }
0x84: {  	p0 =	sne.s32 s0, $0x0;
	s0 =	rddreg [dreg:$0x2]  }
0x85: {  	s0 =	sadd.s32 @!p0 $0x100000, s0  }
0x86: {  	[sflag:s0] =	ssyncadd.tile.s32 @!p0 $0x1;
	_ =	shalt  }
.Lfunc_end2:
_tile_overlayer_lowered:
.L_overlay_start_2:
0x87: {  	(tag) =	ssettag $0x2  }
0x88: {  	s0 =	rddreg [dreg:$0x0];
	s2 =	stileid.u32  }
0x89: {  	s1 =	rddreg [dreg:$0x1];
	p0 =	sne.s32 s2, $0x0  }
0x8a: {  	s3 =	rddreg [dreg:$0x2];
	[bflag:$0x3] =	sbarrier.arrive $0xFFFF;
	s2 =	simm.s32 @!p0 $0x1C01  }
0x8b: {  	[timem:s3], [sflag:s2] =	dma.local @!p0 [hbm:s0], s1  }
0x8c: {  	s0 =	simm.s32 @!p0 $0x1  }
0x8d: {  	_ =	swait.ge @!p0 [sflag:s0], s1  }
0x8e: {  	s1 =	ssub.s32 @!p0 $0x0, s1;
	[sflag:s0] =	ssyncset.done @!p0 $0x0  }
0x8f: {  	[sflag:s0] =	ssyncadd.s32 @!p0 s1  }
0x90: {  	[bflag:$0x3] =	sbarrier.arrive $0xFFFF  }
0x91: {  	_ =	shalt  }

</sc_bundles>
